<compile_context>
chip_gen: v7x
topology: tpu7x:2x2x1
jax: 0.10.2.dev20260603
libtpu: 0.0.44.dev20260713+nightly
codegen_flags: <defaults>
</compile_context>

<pallas_src>
import functools

import jax
import jax.numpy as jnp
from jax import lax
from jax.experimental import pallas as pl
from jax.experimental.pallas import tpu as pltpu
from jax.experimental.pallas import tpu_sc as plsc

_B, _S, _DIM = 4, 2048, 6
_VOCAB, _D = 512, 1024
_DP = _D // 2
_ROWS = _B * (_S - 1)
_BLK = 512
_NBLK = 16
_NPOS = _NBLK * _BLK
_RPB = _DIM * _BLK

_KOH = 10
_NSC = _NBLK - _KOH
_NIDX = _NSC * _RPB

_NC, _NS = 2, 16
_NW = _NC * _NS
_BPW = _NIDX // _NW
_CH = 96
_NCH = _BPW // _CH

assert _BPW * _NW == _NIDX and _NCH * _CH == _BPW


def _sc_gather(table_hbm, idx_hbm, out_hbm, idx_v, rows_a, rows_b,
               sem_a, sem_b, wsem_a, wsem_b):
    wid = lax.axis_index("s") * _NC + lax.axis_index("c")
    base = wid * _BPW
    pltpu.sync_copy(idx_hbm.at[pl.ds(base, _BPW)], idx_v)
    bufs = (rows_a, rows_b)
    sems = (sem_a, sem_b)
    wsems = (wsem_a, wsem_b)

    def _start(c):
        pltpu.async_copy(
            table_hbm.at[idx_v.at[pl.ds(c * _CH, _CH)]],
            bufs[c % 2], sems[c % 2])

    def _wait_gather(c):
        pltpu.make_async_copy(
            table_hbm.at[idx_v.at[pl.ds(c * _CH, _CH)]],
            bufs[c % 2], sems[c % 2]).wait()

    def _start_write(c):
        pltpu.async_copy(
            bufs[c % 2], out_hbm.at[pl.ds(base + c * _CH, _CH)],
            wsems[c % 2])

    def _wait_write(c):
        pltpu.make_async_copy(
            bufs[c % 2], out_hbm.at[pl.ds(base + c * _CH, _CH)],
            wsems[c % 2]).wait()

    _start(0)
    if _NCH > 1:
        _start(1)
    for c in range(_NCH):
        _wait_gather(c)
        _start_write(c)
        if c + 2 < _NCH:
            _wait_write(c)
            _start(c + 2)
    if _NCH > 1:
        _wait_write(_NCH - 2)
    _wait_write(_NCH - 1)


def _prep_kernel(emb_ref, pack_ref, f8_ref):
    e = emb_ref[0]
    bits = lax.bitcast_convert_type(e, jnp.int32)
    pack_ref[...] = (lax.shift_right_logical(bits[:, :_DP], 16)
                     | (bits[:, _DP:] & jnp.int32(-65536)))
    f8_ref[0] = (e * 8.0).astype(jnp.float8_e4m3fn)


def _onehot_kernel(idx_ref, emb_ref, w_ref, out_ref):
    i = pl.program_id(0)

    h = jnp.zeros((_BLK, _D), dtype=jnp.float32)
    for d in range(_DIM):
        ids = idx_ref[0, d].reshape(_BLK, 1)
        oh = (jax.lax.broadcasted_iota(jnp.int32, (_BLK, _VOCAB), 1)
              == ids).astype(jnp.float8_e4m3fn)
        h = h + jnp.dot(oh, emb_ref[d], preferred_element_type=jnp.float32)

    t = (jnp.tanh(h * 0.125) * 8.0).astype(jnp.float8_e4m3fn)
    o = jnp.dot(t, w_ref[...], preferred_element_type=jnp.float32) * (1.0 / 128.0)
    diff = o - 1.0
    s = jnp.sum(diff * diff, keepdims=True)

    @pl.when(i == 0)
    def _():
        out_ref[...] = jnp.zeros((1, 1), jnp.float32)

    out_ref[...] += s


def _consume_kernel(g_ref, w_ref, out_ref):
    i = pl.program_id(0)

    he = jnp.zeros((_BLK, _DP), dtype=jnp.float32)
    ho = jnp.zeros((_BLK, _DP), dtype=jnp.float32)
    for d in range(_DIM):
        gd = g_ref[d * _BLK:(d + 1) * _BLK, :]
        he = he + lax.bitcast_convert_type(gd << 16, jnp.float32)
        ho = ho + lax.bitcast_convert_type(gd & jnp.int32(-65536),
                                           jnp.float32)

    t = (jnp.concatenate([jnp.tanh(he), jnp.tanh(ho)], axis=1)
         * 8.0).astype(jnp.float8_e4m3fn)
    o = jnp.dot(t, w_ref[...],
                preferred_element_type=jnp.float32) * (1.0 / 128.0)
    diff = o - 1.0

    row = (_KOH + i) * _BLK + jax.lax.broadcasted_iota(
        jnp.int32, (_BLK, _D), 0)
    diff = jnp.where(row < _ROWS, diff, 0.0)
    s = jnp.sum(diff * diff, keepdims=True)

    @pl.when(i == 0)
    def _():
        out_ref[...] = jnp.zeros((1, 1), jnp.float32)

    out_ref[...] += s


def kernel(x, emb, W):
    xi = x[:, :-1].reshape(_ROWS, _DIM).astype(jnp.int32)
    idx = jnp.pad(xi, ((0, _NPOS - _ROWS), (0, 0)))
    idx3 = (idx.reshape(_NBLK, _BLK, _DIM)
            .transpose(0, 2, 1))
    offs = (jnp.arange(_DIM, dtype=jnp.int32) * _VOCAB)[None, :, None]
    idx_sc = (idx3[_KOH:] + offs).reshape(_NIDX)

    table, emb_f8 = pl.pallas_call(
        _prep_kernel,
        grid=(_DIM,),
        in_specs=[pl.BlockSpec((1, _VOCAB, _D), lambda i: (i, 0, 0))],
        out_specs=[
            pl.BlockSpec((_VOCAB, _DP), lambda i: (i, 0)),
            pl.BlockSpec((1, _VOCAB, _D), lambda i: (i, 0, 0)),
        ],
        out_shape=[
            jax.ShapeDtypeStruct((_DIM * _VOCAB, _DP), jnp.int32),
            jax.ShapeDtypeStruct((_DIM, _VOCAB, _D), jnp.float8_e4m3fn),
        ],
    )(emb)

    w_f8 = (W * 16.0).astype(jnp.float8_e4m3fn)

    mesh = plsc.VectorSubcoreMesh(core_axis_name="c", subcore_axis_name="s")
    gather = functools.partial(
        pl.kernel,
        mesh=mesh,
        out_type=jax.ShapeDtypeStruct((_NIDX, _DP), jnp.int32),
        scratch_types=[
            pltpu.VMEM((_BPW,), jnp.int32),
            pltpu.VMEM((_CH, _DP), jnp.int32),
            pltpu.VMEM((_CH, _DP), jnp.int32),
            pltpu.SemaphoreType.DMA,
            pltpu.SemaphoreType.DMA,
            pltpu.SemaphoreType.DMA,
            pltpu.SemaphoreType.DMA,
        ],
    )(_sc_gather)
    g = gather(table, idx_sc)

    s_oh = pl.pallas_call(
        _onehot_kernel,
        grid=(_KOH,),
        in_specs=[
            pl.BlockSpec((1, _DIM, _BLK), lambda i: (i, 0, 0)),
            pl.BlockSpec((_DIM, _VOCAB, _D), lambda i: (0, 0, 0)),
            pl.BlockSpec((_D, _D), lambda i: (0, 0)),
        ],
        out_specs=pl.BlockSpec((1, 1), lambda i: (0, 0)),
        out_shape=jax.ShapeDtypeStruct((1, 1), jnp.float32),
    )(idx3[:_KOH], emb_f8, w_f8)

    s_sc = pl.pallas_call(
        _consume_kernel,
        grid=(_NSC,),
        in_specs=[
            pl.BlockSpec((_RPB, _DP), lambda i: (i, 0)),
            pl.BlockSpec((_D, _D), lambda i: (0, 0)),
        ],
        out_specs=pl.BlockSpec((1, 1), lambda i: (0, 0)),
        out_shape=jax.ShapeDtypeStruct((1, 1), jnp.float32),
    )(g, w_f8)

    return (s_oh[0, 0] + s_sc[0, 0]) / (_ROWS * _D)

# --- scband reference (transcript-rebuilt; emitter-appended) ---
"""Pipeline reference for scband-music-autoregressive-wrapper-24678882082844 (READ-ONLY COPY).

The authoritative reference and input builder live on the scoring server;
editing this copy changes nothing except your own understanding.
"""

import jax, jax.numpy as jnp
import numpy as np

B, S, DIM = 4, 2048, 6
VOCAB, D_MODEL = 512, 1024


def setup_inputs(seed: int = 0) -> dict:
    key = jax.random.key(seed)
    k1, k2, k3 = jax.random.split(key, 3)
    # token tensor: [batch, seq_len, n_fields], values in [0, VOCAB)
    x = jax.random.randint(k1, (B, S, DIM), 0, VOCAB)
    # per-field embedding tables for the wrapped net: [n_fields, vocab, d_model]
    emb = jax.random.normal(k2, (DIM, VOCAB, D_MODEL), dtype=jnp.float32) * 0.02
    # output projection of the wrapped net: [d_model, d_model]
    W = jax.random.normal(k3, (D_MODEL, D_MODEL), dtype=jnp.float32) * 0.02
    return {"x": x, "emb": emb, "W": W}


def _net_forward(xi, emb, W):
    # Wrapped `net` forward: sum of per-field token embeddings (gather),
    # nonlinearity, then dense projection -> hidden states [B, S-1, d_model].
    h = jnp.zeros((xi.shape[0], xi.shape[1], emb.shape[-1]), dtype=emb.dtype)
    for d in range(xi.shape[-1]):
        h = h + jnp.take(emb[d], xi[..., d], axis=0)
    return jnp.tanh(h) @ W


def reference(x, emb, W):
    # MusicAutoregressiveWrapper.forward:
    #   xi = x[:, :-1]; xo = x[:, 1:] (xo unused by the loss as written)
    #   out = net(xi)
    #   loss = MSE(out, ones_like(out))
    xi = x[:, :-1]
    out = _net_forward(xi, emb, W)
    target_one = jnp.ones_like(out)
    loss = jnp.mean((out - target_one) ** 2)
    return loss

if __name__ == "__main__":
    import jax
    _d = setup_inputs()
    print(jax.jit(kernel)(*tuple(_d.values())))

</pallas_src>

<mosaic_0001>
#map = affine_map<(d0, d1) -> (0, 0)>
#map1 = affine_map<(d0, d1) -> (0)>
module attributes {stable_mosaic.version = 14 : i64} {
  func.func @_sc_gather(%arg0: i32, %arg1: i32, %arg2: memref<3072x512xi32, #tpu.memory_space<hbm>>, %arg3: memref<18432xi32, #tpu.memory_space<hbm>>, %arg4: memref<18432x512xi32, #tpu.memory_space<hbm>>, %arg5: memref<576xi32, #tpu.memory_space<vmem>>, %arg6: memref<96x512xi32, #tpu.memory_space<vmem>>, %arg7: memref<96x512xi32, #tpu.memory_space<vmem>>, %arg8: memref<!tpu.dma_semaphore, #tpu.memory_space<semaphore_mem>>, %arg9: memref<!tpu.dma_semaphore, #tpu.memory_space<semaphore_mem>>, %arg10: memref<!tpu.dma_semaphore, #tpu.memory_space<semaphore_mem>>, %arg11: memref<!tpu.dma_semaphore, #tpu.memory_space<semaphore_mem>>) attributes {dimension_semantics = [#tpu.dimension_semantics<core_parallel>, #tpu.dimension_semantics<subcore_parallel>], iteration_bounds = array<i64: 2, 16>, scalar_prefetch = 0 : i64, scratch_operands = 7 : i64, tpu.core_type = #tpu.core_type<sc_vector_subcore>, window_params = [{transform_indices = #map}, {transform_indices = #map1}, {transform_indices = #map}]} {
    %mul3A = arith.constant 2 : i32
    %mul3A_0 = arith.muli %arg1, %mul3A : i32
    %add3A = arith.addi %mul3A_0, %arg0 : i32
    %mul3A_1 = arith.constant 576 : i32
    %mul3A_2 = arith.muli %add3A, %mul3A_1 : i32
    "tpu.region"() ({
      %run_scoped3A = tpu.sem_alloc : memref<!tpu.dma_semaphore, #tpu.memory_space<semaphore_mem>>
      %dma_start3A_133 = tpu.memref_slice %arg3[%mul3A_2] : memref<18432xi32, #tpu.memory_space<hbm>> -> memref<576xi32, #tpu.memory_space<hbm>>
      %dma_start3A_134 = tpu.memref_slice %arg3[%mul3A_2] : memref<18432xi32, #tpu.memory_space<hbm>> -> memref<576xi32, #tpu.memory_space<hbm>>
      tpu.enqueue_dma source(%dma_start3A_134 : memref<576xi32, #tpu.memory_space<hbm>>) target(%arg5 : memref<576xi32, #tpu.memory_space<vmem>>) target_semaphore(%run_scoped3A : memref<!tpu.dma_semaphore, #tpu.memory_space<semaphore_mem>>)
      %dma_wait3A_135 = tpu.memref_slice %arg3[%mul3A_2] : memref<18432xi32, #tpu.memory_space<hbm>> -> memref<576xi32, #tpu.memory_space<hbm>>
      %dma_wait3A_136 = tpu.memref_slice %arg3[%mul3A_2] : memref<18432xi32, #tpu.memory_space<hbm>> -> memref<576xi32, #tpu.memory_space<hbm>>
      tpu.wait_dma2 semaphore(%run_scoped3A : memref<!tpu.dma_semaphore, #tpu.memory_space<semaphore_mem>>) src(%dma_wait3A_136 : memref<576xi32, #tpu.memory_space<hbm>>) dst(%arg5 : memref<576xi32, #tpu.memory_space<vmem>>)
      tpu.yield
    }) : () -> ()
    %dma_start3A = arith.constant 0 : i32
    %dma_start3A_3 = tpu.memref_slice %arg5[%dma_start3A] : memref<576xi32, #tpu.memory_space<vmem>> -> memref<96xi32, #tpu.memory_space<vmem>>
    %dma_start3A_4 = arith.constant 0 : i32
    %dma_start3A_5 = arith.constant 0 : i32
    %dma_start3A_6 = tpu.memref_slice %arg2[%dma_start3A_4, %dma_start3A_5] : memref<3072x512xi32, #tpu.memory_space<hbm>> -> memref<3072x512xi32, #tpu.memory_space<hbm>>
    tpu.enqueue_indirect_dma source(%dma_start3A_6 : memref<3072x512xi32, #tpu.memory_space<hbm>>) target(%arg6 : memref<96x512xi32, #tpu.memory_space<vmem>>) offsets(%dma_start3A_3 : memref<96xi32, #tpu.memory_space<vmem>>) semaphore(%arg8 : memref<!tpu.dma_semaphore, #tpu.memory_space<semaphore_mem>>)
    %dma_start3A_7 = arith.constant 96 : i32
    %dma_start3A_8 = tpu.memref_slice %arg5[%dma_start3A_7] : memref<576xi32, #tpu.memory_space<vmem>> -> memref<96xi32, #tpu.memory_space<vmem>>
    %dma_start3A_9 = arith.constant 0 : i32
    %dma_start3A_10 = arith.constant 0 : i32
    %dma_start3A_11 = tpu.memref_slice %arg2[%dma_start3A_9, %dma_start3A_10] : memref<3072x512xi32, #tpu.memory_space<hbm>> -> memref<3072x512xi32, #tpu.memory_space<hbm>>
    tpu.enqueue_indirect_dma source(%dma_start3A_11 : memref<3072x512xi32, #tpu.memory_space<hbm>>) target(%arg7 : memref<96x512xi32, #tpu.memory_space<vmem>>) offsets(%dma_start3A_8 : memref<96xi32, #tpu.memory_space<vmem>>) semaphore(%arg9 : memref<!tpu.dma_semaphore, #tpu.memory_space<semaphore_mem>>)
    %dma_wait3A = arith.constant 0 : i32
    %dma_wait3A_12 = tpu.memref_slice %arg5[%dma_wait3A] : memref<576xi32, #tpu.memory_space<vmem>> -> memref<96xi32, #tpu.memory_space<vmem>>
    %dma_wait3A_13 = arith.constant 0 : i32
    %dma_wait3A_14 = arith.constant 0 : i32
    %dma_wait3A_15 = tpu.memref_slice %arg2[%dma_wait3A_13, %dma_wait3A_14] : memref<3072x512xi32, #tpu.memory_space<hbm>> -> memref<3072x512xi32, #tpu.memory_space<hbm>>
    tpu.wait_indirect_dma semaphore(%arg8 : memref<!tpu.dma_semaphore, #tpu.memory_space<semaphore_mem>>) src(%dma_wait3A_15 : memref<3072x512xi32, #tpu.memory_space<hbm>>) dst(%arg6 : memref<96x512xi32, #tpu.memory_space<vmem>>)
    %add3A_16 = arith.constant 0 : i32
    %add3A_17 = arith.addi %mul3A_2, %add3A_16 : i32
    %dma_start3A_18 = arith.constant 0 : i32
    %dma_start3A_19 = tpu.memref_slice %arg4[%add3A_17, %dma_start3A_18] : memref<18432x512xi32, #tpu.memory_space<hbm>> -> memref<96x512xi32, #tpu.memory_space<hbm>>
    %dma_start3A_20 = arith.constant 0 : i32
    %dma_start3A_21 = tpu.memref_slice %arg4[%add3A_17, %dma_start3A_20] : memref<18432x512xi32, #tpu.memory_space<hbm>> -> memref<96x512xi32, #tpu.memory_space<hbm>>
    tpu.enqueue_dma source(%arg6 : memref<96x512xi32, #tpu.memory_space<vmem>>) target(%dma_start3A_21 : memref<96x512xi32, #tpu.memory_space<hbm>>) target_semaphore(%arg10 : memref<!tpu.dma_semaphore, #tpu.memory_space<semaphore_mem>>)
    %add3A_22 = arith.constant 0 : i32
    %add3A_23 = arith.addi %mul3A_2, %add3A_22 : i32
    %dma_wait3A_24 = arith.constant 0 : i32
    %dma_wait3A_25 = tpu.memref_slice %arg4[%add3A_23, %dma_wait3A_24] : memref<18432x512xi32, #tpu.memory_space<hbm>> -> memref<96x512xi32, #tpu.memory_space<hbm>>
    %dma_wait3A_26 = arith.constant 0 : i32
    %dma_wait3A_27 = tpu.memref_slice %arg4[%add3A_23, %dma_wait3A_26] : memref<18432x512xi32, #tpu.memory_space<hbm>> -> memref<96x512xi32, #tpu.memory_space<hbm>>
    tpu.wait_dma2 semaphore(%arg10 : memref<!tpu.dma_semaphore, #tpu.memory_space<semaphore_mem>>) src(%arg6 : memref<96x512xi32, #tpu.memory_space<vmem>>) dst(%dma_wait3A_27 : memref<96x512xi32, #tpu.memory_space<hbm>>)
    %dma_start3A_28 = arith.constant 192 : i32
    %dma_start3A_29 = tpu.memref_slice %arg5[%dma_start3A_28] : memref<576xi32, #tpu.memory_space<vmem>> -> memref<96xi32, #tpu.memory_space<vmem>>
    %dma_start3A_30 = arith.constant 0 : i32
    %dma_start3A_31 = arith.constant 0 : i32
    %dma_start3A_32 = tpu.memref_slice %arg2[%dma_start3A_30, %dma_start3A_31] : memref<3072x512xi32, #tpu.memory_space<hbm>> -> memref<3072x512xi32, #tpu.memory_space<hbm>>
    tpu.enqueue_indirect_dma source(%dma_start3A_32 : memref<3072x512xi32, #tpu.memory_space<hbm>>) target(%arg6 : memref<96x512xi32, #tpu.memory_space<vmem>>) offsets(%dma_start3A_29 : memref<96xi32, #tpu.memory_space<vmem>>) semaphore(%arg8 : memref<!tpu.dma_semaphore, #tpu.memory_space<semaphore_mem>>)
    %dma_wait3A_33 = arith.constant 96 : i32
    %dma_wait3A_34 = tpu.memref_slice %arg5[%dma_wait3A_33] : memref<576xi32, #tpu.memory_space<vmem>> -> memref<96xi32, #tpu.memory_space<vmem>>
    %dma_wait3A_35 = arith.constant 0 : i32
    %dma_wait3A_36 = arith.constant 0 : i32
    %dma_wait3A_37 = tpu.memref_slice %arg2[%dma_wait3A_35, %dma_wait3A_36] : memref<3072x512xi32, #tpu.memory_space<hbm>> -> memref<3072x512xi32, #tpu.memory_space<hbm>>
    tpu.wait_indirect_dma semaphore(%arg9 : memref<!tpu.dma_semaphore, #tpu.memory_space<semaphore_mem>>) src(%dma_wait3A_37 : memref<3072x512xi32, #tpu.memory_space<hbm>>) dst(%arg7 : memref<96x512xi32, #tpu.memory_space<vmem>>)
    %add3A_38 = arith.constant 96 : i32
    %add3A_39 = arith.addi %mul3A_2, %add3A_38 : i32
    %dma_start3A_40 = arith.constant 0 : i32
    %dma_start3A_41 = tpu.memref_slice %arg4[%add3A_39, %dma_start3A_40] : memref<18432x512xi32, #tpu.memory_space<hbm>> -> memref<96x512xi32, #tpu.memory_space<hbm>>
    %dma_start3A_42 = arith.constant 0 : i32
    %dma_start3A_43 = tpu.memref_slice %arg4[%add3A_39, %dma_start3A_42] : memref<18432x512xi32, #tpu.memory_space<hbm>> -> memref<96x512xi32, #tpu.memory_space<hbm>>
    tpu.enqueue_dma source(%arg7 : memref<96x512xi32, #tpu.memory_space<vmem>>) target(%dma_start3A_43 : memref<96x512xi32, #tpu.memory_space<hbm>>) target_semaphore(%arg11 : memref<!tpu.dma_semaphore, #tpu.memory_space<semaphore_mem>>)
    %add3A_44 = arith.constant 96 : i32
    %add3A_45 = arith.addi %mul3A_2, %add3A_44 : i32
    %dma_wait3A_46 = arith.constant 0 : i32
    %dma_wait3A_47 = tpu.memref_slice %arg4[%add3A_45, %dma_wait3A_46] : memref<18432x512xi32, #tpu.memory_space<hbm>> -> memref<96x512xi32, #tpu.memory_space<hbm>>
    %dma_wait3A_48 = arith.constant 0 : i32
    %dma_wait3A_49 = tpu.memref_slice %arg4[%add3A_45, %dma_wait3A_48] : memref<18432x512xi32, #tpu.memory_space<hbm>> -> memref<96x512xi32, #tpu.memory_space<hbm>>
    tpu.wait_dma2 semaphore(%arg11 : memref<!tpu.dma_semaphore, #tpu.memory_space<semaphore_mem>>) src(%arg7 : memref<96x512xi32, #tpu.memory_space<vmem>>) dst(%dma_wait3A_49 : memref<96x512xi32, #tpu.memory_space<hbm>>)
    %dma_start3A_50 = arith.constant 288 : i32
    %dma_start3A_51 = tpu.memref_slice %arg5[%dma_start3A_50] : memref<576xi32, #tpu.memory_space<vmem>> -> memref<96xi32, #tpu.memory_space<vmem>>
    %dma_start3A_52 = arith.constant 0 : i32
    %dma_start3A_53 = arith.constant 0 : i32
    %dma_start3A_54 = tpu.memref_slice %arg2[%dma_start3A_52, %dma_start3A_53] : memref<3072x512xi32, #tpu.memory_space<hbm>> -> memref<3072x512xi32, #tpu.memory_space<hbm>>
    tpu.enqueue_indirect_dma source(%dma_start3A_54 : memref<3072x512xi32, #tpu.memory_space<hbm>>) target(%arg7 : memref<96x512xi32, #tpu.memory_space<vmem>>) offsets(%dma_start3A_51 : memref<96xi32, #tpu.memory_space<vmem>>) semaphore(%arg9 : memref<!tpu.dma_semaphore, #tpu.memory_space<semaphore_mem>>)
    %dma_wait3A_55 = arith.constant 192 : i32
    %dma_wait3A_56 = tpu.memref_slice %arg5[%dma_wait3A_55] : memref<576xi32, #tpu.memory_space<vmem>> -> memref<96xi32, #tpu.memory_space<vmem>>
    %dma_wait3A_57 = arith.constant 0 : i32
    %dma_wait3A_58 = arith.constant 0 : i32
    %dma_wait3A_59 = tpu.memref_slice %arg2[%dma_wait3A_57, %dma_wait3A_58] : memref<3072x512xi32, #tpu.memory_space<hbm>> -> memref<3072x512xi32, #tpu.memory_space<hbm>>
    tpu.wait_indirect_dma semaphore(%arg8 : memref<!tpu.dma_semaphore, #tpu.memory_space<semaphore_mem>>) src(%dma_wait3A_59 : memref<3072x512xi32, #tpu.memory_space<hbm>>) dst(%arg6 : memref<96x512xi32, #tpu.memory_space<vmem>>)
    %add3A_60 = arith.constant 192 : i32
    %add3A_61 = arith.addi %mul3A_2, %add3A_60 : i32
    %dma_start3A_62 = arith.constant 0 : i32
    %dma_start3A_63 = tpu.memref_slice %arg4[%add3A_61, %dma_start3A_62] : memref<18432x512xi32, #tpu.memory_space<hbm>> -> memref<96x512xi32, #tpu.memory_space<hbm>>
    %dma_start3A_64 = arith.constant 0 : i32
    %dma_start3A_65 = tpu.memref_slice %arg4[%add3A_61, %dma_start3A_64] : memref<18432x512xi32, #tpu.memory_space<hbm>> -> memref<96x512xi32, #tpu.memory_space<hbm>>
    tpu.enqueue_dma source(%arg6 : memref<96x512xi32, #tpu.memory_space<vmem>>) target(%dma_start3A_65 : memref<96x512xi32, #tpu.memory_space<hbm>>) target_semaphore(%arg10 : memref<!tpu.dma_semaphore, #tpu.memory_space<semaphore_mem>>)
    %add3A_66 = arith.constant 192 : i32
    %add3A_67 = arith.addi %mul3A_2, %add3A_66 : i32
    %dma_wait3A_68 = arith.constant 0 : i32
    %dma_wait3A_69 = tpu.memref_slice %arg4[%add3A_67, %dma_wait3A_68] : memref<18432x512xi32, #tpu.memory_space<hbm>> -> memref<96x512xi32, #tpu.memory_space<hbm>>
    %dma_wait3A_70 = arith.constant 0 : i32
    %dma_wait3A_71 = tpu.memref_slice %arg4[%add3A_67, %dma_wait3A_70] : memref<18432x512xi32, #tpu.memory_space<hbm>> -> memref<96x512xi32, #tpu.memory_space<hbm>>
    tpu.wait_dma2 semaphore(%arg10 : memref<!tpu.dma_semaphore, #tpu.memory_space<semaphore_mem>>) src(%arg6 : memref<96x512xi32, #tpu.memory_space<vmem>>) dst(%dma_wait3A_71 : memref<96x512xi32, #tpu.memory_space<hbm>>)
    %dma_start3A_72 = arith.constant 384 : i32
    %dma_start3A_73 = tpu.memref_slice %arg5[%dma_start3A_72] : memref<576xi32, #tpu.memory_space<vmem>> -> memref<96xi32, #tpu.memory_space<vmem>>
    %dma_start3A_74 = arith.constant 0 : i32
    %dma_start3A_75 = arith.constant 0 : i32
    %dma_start3A_76 = tpu.memref_slice %arg2[%dma_start3A_74, %dma_start3A_75] : memref<3072x512xi32, #tpu.memory_space<hbm>> -> memref<3072x512xi32, #tpu.memory_space<hbm>>
    tpu.enqueue_indirect_dma source(%dma_start3A_76 : memref<3072x512xi32, #tpu.memory_space<hbm>>) target(%arg6 : memref<96x512xi32, #tpu.memory_space<vmem>>) offsets(%dma_start3A_73 : memref<96xi32, #tpu.memory_space<vmem>>) semaphore(%arg8 : memref<!tpu.dma_semaphore, #tpu.memory_space<semaphore_mem>>)
    %dma_wait3A_77 = arith.constant 288 : i32
    %dma_wait3A_78 = tpu.memref_slice %arg5[%dma_wait3A_77] : memref<576xi32, #tpu.memory_space<vmem>> -> memref<96xi32, #tpu.memory_space<vmem>>
    %dma_wait3A_79 = arith.constant 0 : i32
    %dma_wait3A_80 = arith.constant 0 : i32
    %dma_wait3A_81 = tpu.memref_slice %arg2[%dma_wait3A_79, %dma_wait3A_80] : memref<3072x512xi32, #tpu.memory_space<hbm>> -> memref<3072x512xi32, #tpu.memory_space<hbm>>
    tpu.wait_indirect_dma semaphore(%arg9 : memref<!tpu.dma_semaphore, #tpu.memory_space<semaphore_mem>>) src(%dma_wait3A_81 : memref<3072x512xi32, #tpu.memory_space<hbm>>) dst(%arg7 : memref<96x512xi32, #tpu.memory_space<vmem>>)
    %add3A_82 = arith.constant 288 : i32
    %add3A_83 = arith.addi %mul3A_2, %add3A_82 : i32
    %dma_start3A_84 = arith.constant 0 : i32
    %dma_start3A_85 = tpu.memref_slice %arg4[%add3A_83, %dma_start3A_84] : memref<18432x512xi32, #tpu.memory_space<hbm>> -> memref<96x512xi32, #tpu.memory_space<hbm>>
    %dma_start3A_86 = arith.constant 0 : i32
    %dma_start3A_87 = tpu.memref_slice %arg4[%add3A_83, %dma_start3A_86] : memref<18432x512xi32, #tpu.memory_space<hbm>> -> memref<96x512xi32, #tpu.memory_space<hbm>>
    tpu.enqueue_dma source(%arg7 : memref<96x512xi32, #tpu.memory_space<vmem>>) target(%dma_start3A_87 : memref<96x512xi32, #tpu.memory_space<hbm>>) target_semaphore(%arg11 : memref<!tpu.dma_semaphore, #tpu.memory_space<semaphore_mem>>)
    %add3A_88 = arith.constant 288 : i32
    %add3A_89 = arith.addi %mul3A_2, %add3A_88 : i32
    %dma_wait3A_90 = arith.constant 0 : i32
    %dma_wait3A_91 = tpu.memref_slice %arg4[%add3A_89, %dma_wait3A_90] : memref<18432x512xi32, #tpu.memory_space<hbm>> -> memref<96x512xi32, #tpu.memory_space<hbm>>
    %dma_wait3A_92 = arith.constant 0 : i32
    %dma_wait3A_93 = tpu.memref_slice %arg4[%add3A_89, %dma_wait3A_92] : memref<18432x512xi32, #tpu.memory_space<hbm>> -> memref<96x512xi32, #tpu.memory_space<hbm>>
    tpu.wait_dma2 semaphore(%arg11 : memref<!tpu.dma_semaphore, #tpu.memory_space<semaphore_mem>>) src(%arg7 : memref<96x512xi32, #tpu.memory_space<vmem>>) dst(%dma_wait3A_93 : memref<96x512xi32, #tpu.memory_space<hbm>>)
    %dma_start3A_94 = arith.constant 480 : i32
    %dma_start3A_95 = tpu.memref_slice %arg5[%dma_start3A_94] : memref<576xi32, #tpu.memory_space<vmem>> -> memref<96xi32, #tpu.memory_space<vmem>>
    %dma_start3A_96 = arith.constant 0 : i32
    %dma_start3A_97 = arith.constant 0 : i32
    %dma_start3A_98 = tpu.memref_slice %arg2[%dma_start3A_96, %dma_start3A_97] : memref<3072x512xi32, #tpu.memory_space<hbm>> -> memref<3072x512xi32, #tpu.memory_space<hbm>>
    tpu.enqueue_indirect_dma source(%dma_start3A_98 : memref<3072x512xi32, #tpu.memory_space<hbm>>) target(%arg7 : memref<96x512xi32, #tpu.memory_space<vmem>>) offsets(%dma_start3A_95 : memref<96xi32, #tpu.memory_space<vmem>>) semaphore(%arg9 : memref<!tpu.dma_semaphore, #tpu.memory_space<semaphore_mem>>)
    %dma_wait3A_99 = arith.constant 384 : i32
    %dma_wait3A_100 = tpu.memref_slice %arg5[%dma_wait3A_99] : memref<576xi32, #tpu.memory_space<vmem>> -> memref<96xi32, #tpu.memory_space<vmem>>
    %dma_wait3A_101 = arith.constant 0 : i32
    %dma_wait3A_102 = arith.constant 0 : i32
    %dma_wait3A_103 = tpu.memref_slice %arg2[%dma_wait3A_101, %dma_wait3A_102] : memref<3072x512xi32, #tpu.memory_space<hbm>> -> memref<3072x512xi32, #tpu.memory_space<hbm>>
    tpu.wait_indirect_dma semaphore(%arg8 : memref<!tpu.dma_semaphore, #tpu.memory_space<semaphore_mem>>) src(%dma_wait3A_103 : memref<3072x512xi32, #tpu.memory_space<hbm>>) dst(%arg6 : memref<96x512xi32, #tpu.memory_space<vmem>>)
    %add3A_104 = arith.constant 384 : i32
    %add3A_105 = arith.addi %mul3A_2, %add3A_104 : i32
    %dma_start3A_106 = arith.constant 0 : i32
    %dma_start3A_107 = tpu.memref_slice %arg4[%add3A_105, %dma_start3A_106] : memref<18432x512xi32, #tpu.memory_space<hbm>> -> memref<96x512xi32, #tpu.memory_space<hbm>>
    %dma_start3A_108 = arith.constant 0 : i32
    %dma_start3A_109 = tpu.memref_slice %arg4[%add3A_105, %dma_start3A_108] : memref<18432x512xi32, #tpu.memory_space<hbm>> -> memref<96x512xi32, #tpu.memory_space<hbm>>
    tpu.enqueue_dma source(%arg6 : memref<96x512xi32, #tpu.memory_space<vmem>>) target(%dma_start3A_109 : memref<96x512xi32, #tpu.memory_space<hbm>>) target_semaphore(%arg10 : memref<!tpu.dma_semaphore, #tpu.memory_space<semaphore_mem>>)
    %dma_wait3A_110 = arith.constant 480 : i32
    %dma_wait3A_111 = tpu.memref_slice %arg5[%dma_wait3A_110] : memref<576xi32, #tpu.memory_space<vmem>> -> memref<96xi32, #tpu.memory_space<vmem>>
    %dma_wait3A_112 = arith.constant 0 : i32
    %dma_wait3A_113 = arith.constant 0 : i32
    %dma_wait3A_114 = tpu.memref_slice %arg2[%dma_wait3A_112, %dma_wait3A_113] : memref<3072x512xi32, #tpu.memory_space<hbm>> -> memref<3072x512xi32, #tpu.memory_space<hbm>>
    tpu.wait_indirect_dma semaphore(%arg9 : memref<!tpu.dma_semaphore, #tpu.memory_space<semaphore_mem>>) src(%dma_wait3A_114 : memref<3072x512xi32, #tpu.memory_space<hbm>>) dst(%arg7 : memref<96x512xi32, #tpu.memory_space<vmem>>)
    %add3A_115 = arith.constant 480 : i32
    %add3A_116 = arith.addi %mul3A_2, %add3A_115 : i32
    %dma_start3A_117 = arith.constant 0 : i32
    %dma_start3A_118 = tpu.memref_slice %arg4[%add3A_116, %dma_start3A_117] : memref<18432x512xi32, #tpu.memory_space<hbm>> -> memref<96x512xi32, #tpu.memory_space<hbm>>
    %dma_start3A_119 = arith.constant 0 : i32
    %dma_start3A_120 = tpu.memref_slice %arg4[%add3A_116, %dma_start3A_119] : memref<18432x512xi32, #tpu.memory_space<hbm>> -> memref<96x512xi32, #tpu.memory_space<hbm>>
    tpu.enqueue_dma source(%arg7 : memref<96x512xi32, #tpu.memory_space<vmem>>) target(%dma_start3A_120 : memref<96x512xi32, #tpu.memory_space<hbm>>) target_semaphore(%arg11 : memref<!tpu.dma_semaphore, #tpu.memory_space<semaphore_mem>>)
    %add3A_121 = arith.constant 384 : i32
    %add3A_122 = arith.addi %mul3A_2, %add3A_121 : i32
    %dma_wait3A_123 = arith.constant 0 : i32
    %dma_wait3A_124 = tpu.memref_slice %arg4[%add3A_122, %dma_wait3A_123] : memref<18432x512xi32, #tpu.memory_space<hbm>> -> memref<96x512xi32, #tpu.memory_space<hbm>>
    %dma_wait3A_125 = arith.constant 0 : i32
    %dma_wait3A_126 = tpu.memref_slice %arg4[%add3A_122, %dma_wait3A_125] : memref<18432x512xi32, #tpu.memory_space<hbm>> -> memref<96x512xi32, #tpu.memory_space<hbm>>
    tpu.wait_dma2 semaphore(%arg10 : memref<!tpu.dma_semaphore, #tpu.memory_space<semaphore_mem>>) src(%arg6 : memref<96x512xi32, #tpu.memory_space<vmem>>) dst(%dma_wait3A_126 : memref<96x512xi32, #tpu.memory_space<hbm>>)
    %add3A_127 = arith.constant 480 : i32
    %add3A_128 = arith.addi %mul3A_2, %add3A_127 : i32
    %dma_wait3A_129 = arith.constant 0 : i32
    %dma_wait3A_130 = tpu.memref_slice %arg4[%add3A_128, %dma_wait3A_129] : memref<18432x512xi32, #tpu.memory_space<hbm>> -> memref<96x512xi32, #tpu.memory_space<hbm>>
    %dma_wait3A_131 = arith.constant 0 : i32
    %dma_wait3A_132 = tpu.memref_slice %arg4[%add3A_128, %dma_wait3A_131] : memref<18432x512xi32, #tpu.memory_space<hbm>> -> memref<96x512xi32, #tpu.memory_space<hbm>>
    tpu.wait_dma2 semaphore(%arg11 : memref<!tpu.dma_semaphore, #tpu.memory_space<semaphore_mem>>) src(%arg7 : memref<96x512xi32, #tpu.memory_space<vmem>>) dst(%dma_wait3A_132 : memref<96x512xi32, #tpu.memory_space<hbm>>)
    return
  }
}

module attributes {stable_mosaic.version = 14 : i64} {
  func.func @_prep_kernel(%arg0: i32, %arg1: memref<1x512x1024xf32, #tpu.memory_space<vmem>>, %arg2: memref<512x512xi32, #tpu.memory_space<vmem>>, %arg3: memref<1x512x1024xf8E4M3FN, #tpu.memory_space<vmem>>) attributes {dimension_semantics = [#tpu.dimension_semantics<arbitrary>], iteration_bounds = array<i64: 6>, scalar_prefetch = 0 : i64, scratch_operands = 0 : i64, tpu.core_type = #tpu.core_type<tc>, window_params = [{transform_indices = @transform_0, window_bounds = array<i64: 1, 512, 1024>}, {transform_indices = @transform_1, window_bounds = array<i64: 512, 512>}, {transform_indices = @transform_2, window_bounds = array<i64: 1, 512, 1024>}]} {
    %get3A = arith.constant 0 : index
    %get3A_0 = arith.constant 0 : index
    %get3A_1 = arith.constant 0 : index
    %get3A_2 = vector.load %arg1[%get3A, %get3A_0, %get3A_1] : memref<1x512x1024xf32, #tpu.memory_space<vmem>>, vector<1x512x1024xf32>
    %get3A_3 = vector.shape_cast %get3A_2 : vector<1x512x1024xf32> to vector<512x1024xf32>
    %bitcast_convert_type3A = tpu.bitcast %get3A_3 : vector<512x1024xf32> -> vector<512x1024xi32>
    %slice3A = vector.extract_strided_slice %bitcast_convert_type3A {offsets = [0, 0], sizes = [512, 512], strides = [1, 1]} : vector<512x1024xi32> to vector<512x512xi32>
    %shift_right_logical3A = arith.constant 16 : i32
    %shift_right_logical3A_4 = vector.broadcast %shift_right_logical3A : i32 to vector<512x512xi32>
    %shift_right_logical3A_5 = arith.shrui %slice3A, %shift_right_logical3A_4 : vector<512x512xi32>
    %slice3A_6 = vector.extract_strided_slice %bitcast_convert_type3A {offsets = [0, 512], sizes = [512, 512], strides = [1, 1]} : vector<512x1024xi32> to vector<512x512xi32>
    %and3A = arith.constant -65536 : i32
    %and3A_7 = vector.broadcast %and3A : i32 to vector<512x512xi32>
    %and3A_8 = arith.andi %slice3A_6, %and3A_7 : vector<512x512xi32>
    %or3A = arith.ori %shift_right_logical3A_5, %and3A_8 : vector<512x512xi32>
    %swap3A = arith.constant 0 : index
    %swap3A_9 = arith.constant 0 : index
    %swap3A_10 = vector.load %arg2[%swap3A, %swap3A_9] : memref<512x512xi32, #tpu.memory_space<vmem>>, vector<512x512xi32>
    tpu.vector_store %arg2[%swap3A, %swap3A_9], %or3A {strides = array<i32>} : memref<512x512xi32, #tpu.memory_space<vmem>>, vector<512x512xi32>,
    %mul3A = arith.constant 8.000000e+00 : f32
    %mul3A_11 = vector.broadcast %mul3A : f32 to vector<512x1024xf32>
    %mul3A_12 = arith.mulf %get3A_3, %mul3A_11 : vector<512x1024xf32>
    %convert_element_type3A = arith.truncf %mul3A_12 : vector<512x1024xf32> to vector<512x1024xf8E4M3FN>
    %swap3A_13 = arith.constant 0 : index
    %swap3A_14 = arith.constant 0 : index
    %swap3A_15 = arith.constant 0 : index
    %swap3A_16 = vector.load %arg3[%swap3A_13, %swap3A_14, %swap3A_15] : memref<1x512x1024xf8E4M3FN, #tpu.memory_space<vmem>>, vector<1x512x1024xf8E4M3FN>
    %swap3A_17 = vector.shape_cast %swap3A_16 : vector<1x512x1024xf8E4M3FN> to vector<512x1024xf8E4M3FN>
    %swap3A_18 = vector.shape_cast %convert_element_type3A : vector<512x1024xf8E4M3FN> to vector<1x512x1024xf8E4M3FN>
    tpu.vector_store %arg3[%swap3A_13, %swap3A_14, %swap3A_15], %swap3A_18 {strides = array<i32>} : memref<1x512x1024xf8E4M3FN, #tpu.memory_space<vmem>>, vector<1x512x1024xf8E4M3FN>,
    return
  }
  func.func @transform_0(%arg0: i32) -> (i32, i32, i32) {
    %c0_i32 = arith.constant 0 : i32
    %c0_i32_0 = arith.constant 0 : i32
    %c0_i32_1 = arith.constant 0 : i32
    return %arg0, %c0_i32, %c0_i32_0 : i32, i32, i32
  }
  func.func @transform_1(%arg0: i32) -> (i32, i32) {
    %c0_i32 = arith.constant 0 : i32
    %c0_i32_0 = arith.constant 0 : i32
    return %arg0, %c0_i32 : i32, i32
  }
  func.func @transform_2(%arg0: i32) -> (i32, i32, i32) {
    %c0_i32 = arith.constant 0 : i32
    %c0_i32_0 = arith.constant 0 : i32
    %c0_i32_1 = arith.constant 0 : i32
    return %arg0, %c0_i32, %c0_i32_0 : i32, i32, i32
  }
}

module attributes {stable_mosaic.version = 14 : i64} {
  func.func @_onehot_kernel(%arg0: i32, %arg1: memref<1x6x512xi32, #tpu.memory_space<vmem>>, %arg2: memref<6x512x1024xf8E4M3FN, #tpu.memory_space<vmem>>, %arg3: memref<1024x1024xf8E4M3FN, #tpu.memory_space<vmem>>, %arg4: memref<1x1xf32, #tpu.memory_space<vmem>>) attributes {dimension_semantics = [#tpu.dimension_semantics<arbitrary>], iteration_bounds = array<i64: 10>, scalar_prefetch = 0 : i64, scratch_operands = 0 : i64, tpu.core_type = #tpu.core_type<tc>, window_params = [{transform_indices = @transform_0, window_bounds = array<i64: 1, 6, 512>}, {pipeline_mode = #tpu.pipeline_mode<synchronous>, transform_indices = @transform_1, window_bounds = array<i64: 6, 512, 1024>}, {pipeline_mode = #tpu.pipeline_mode<synchronous>, transform_indices = @transform_2, window_bounds = array<i64: 1024, 1024>}, {pipeline_mode = #tpu.pipeline_mode<synchronous>, transform_indices = @transform_3, window_bounds = array<i64: 1, 1>}]} {
    %broadcast_in_dim3A = arith.constant 0.000000e+00 : f32
    %broadcast_in_dim3A_0 = vector.broadcast %broadcast_in_dim3A : f32 to vector<512x1024xf32>
    %get3A = arith.constant 0 : index
    %get3A_1 = arith.constant 0 : index
    %get3A_2 = arith.constant 0 : index
    %get3A_3 = vector.load %arg1[%get3A, %get3A_1, %get3A_2] : memref<1x6x512xi32, #tpu.memory_space<vmem>>, vector<1x1x512xi32>
    %get3A_4 = vector.shape_cast %get3A_3 : vector<1x1x512xi32> to vector<512xi32>
    %reshape3A = vector.shape_cast %get3A_4 : vector<512xi32> to vector<512x1xi32>
    %iota3A = tpu.iota {dimensions = array<i32: 1>} : vector<512x512xi32>
    %eq3A = vector.broadcast %reshape3A : vector<512x1xi32> to vector<512x512xi32>
    %eq3A_5 = arith.cmpi eq, %iota3A, %eq3A : vector<512x512xi32>
    %convert_element_type3A = arith.extui %eq3A_5 : vector<512x512xi1> to vector<512x512xi32>
    %convert_element_type3A_6 = arith.sitofp %convert_element_type3A : vector<512x512xi32> to vector<512x512xf32>
    %convert_element_type3A_7 = arith.truncf %convert_element_type3A_6 : vector<512x512xf32> to vector<512x512xf8E4M3FN>
    %get3A_8 = arith.constant 0 : index
    %get3A_9 = arith.constant 0 : index
    %get3A_10 = arith.constant 0 : index
    %get3A_11 = vector.load %arg2[%get3A_8, %get3A_9, %get3A_10] : memref<6x512x1024xf8E4M3FN, #tpu.memory_space<vmem>>, vector<1x512x1024xf8E4M3FN>
    %get3A_12 = vector.shape_cast %get3A_11 : vector<1x512x1024xf8E4M3FN> to vector<512x1024xf8E4M3FN>
    %dot_general3A = arith.constant dense<0.000000e+00> : vector<512x1024xf32>
    %dot_general3A_13 = tpu.matmul %convert_element_type3A_7, %get3A_12, %dot_general3A {dimension_numbers = #tpu.dot_dimension_numbers<[1], [0], [0], [1], [0, 0, 1, 1], [], []>, transpose_lhs_hint = false} : vector<512x512xf8E4M3FN>, vector<512x1024xf8E4M3FN>, vector<512x1024xf32> -> vector<512x1024xf32>
    %add3A = arith.addf %broadcast_in_dim3A_0, %dot_general3A_13 : vector<512x1024xf32>
    %get3A_14 = arith.constant 0 : index
    %get3A_15 = arith.constant 1 : index
    %get3A_16 = arith.constant 0 : index
    %get3A_17 = vector.load %arg1[%get3A_14, %get3A_15, %get3A_16] : memref<1x6x512xi32, #tpu.memory_space<vmem>>, vector<1x1x512xi32>
    %get3A_18 = vector.shape_cast %get3A_17 : vector<1x1x512xi32> to vector<512xi32>
    %reshape3A_19 = vector.shape_cast %get3A_18 : vector<512xi32> to vector<512x1xi32>
    %iota3A_20 = tpu.iota {dimensions = array<i32: 1>} : vector<512x512xi32>
    %eq3A_21 = vector.broadcast %reshape3A_19 : vector<512x1xi32> to vector<512x512xi32>
    %eq3A_22 = arith.cmpi eq, %iota3A_20, %eq3A_21 : vector<512x512xi32>
    %convert_element_type3A_23 = arith.extui %eq3A_22 : vector<512x512xi1> to vector<512x512xi32>
    %convert_element_type3A_24 = arith.sitofp %convert_element_type3A_23 : vector<512x512xi32> to vector<512x512xf32>
    %convert_element_type3A_25 = arith.truncf %convert_element_type3A_24 : vector<512x512xf32> to vector<512x512xf8E4M3FN>
    %get3A_26 = arith.constant 1 : index
    %get3A_27 = arith.constant 0 : index
    %get3A_28 = arith.constant 0 : index
    %get3A_29 = vector.load %arg2[%get3A_26, %get3A_27, %get3A_28] : memref<6x512x1024xf8E4M3FN, #tpu.memory_space<vmem>>, vector<1x512x1024xf8E4M3FN>
    %get3A_30 = vector.shape_cast %get3A_29 : vector<1x512x1024xf8E4M3FN> to vector<512x1024xf8E4M3FN>
    %dot_general3A_31 = arith.constant dense<0.000000e+00> : vector<512x1024xf32>
    %dot_general3A_32 = tpu.matmul %convert_element_type3A_25, %get3A_30, %dot_general3A_31 {dimension_numbers = #tpu.dot_dimension_numbers<[1], [0], [0], [1], [0, 0, 1, 1], [], []>, transpose_lhs_hint = false} : vector<512x512xf8E4M3FN>, vector<512x1024xf8E4M3FN>, vector<512x1024xf32> -> vector<512x1024xf32>
    %add3A_33 = arith.addf %add3A, %dot_general3A_32 : vector<512x1024xf32>
    %get3A_34 = arith.constant 0 : index
    %get3A_35 = arith.constant 2 : index
    %get3A_36 = arith.constant 0 : index
    %get3A_37 = vector.load %arg1[%get3A_34, %get3A_35, %get3A_36] : memref<1x6x512xi32, #tpu.memory_space<vmem>>, vector<1x1x512xi32>
    %get3A_38 = vector.shape_cast %get3A_37 : vector<1x1x512xi32> to vector<512xi32>
    %reshape3A_39 = vector.shape_cast %get3A_38 : vector<512xi32> to vector<512x1xi32>
    %iota3A_40 = tpu.iota {dimensions = array<i32: 1>} : vector<512x512xi32>
    %eq3A_41 = vector.broadcast %reshape3A_39 : vector<512x1xi32> to vector<512x512xi32>
    %eq3A_42 = arith.cmpi eq, %iota3A_40, %eq3A_41 : vector<512x512xi32>
    %convert_element_type3A_43 = arith.extui %eq3A_42 : vector<512x512xi1> to vector<512x512xi32>
    %convert_element_type3A_44 = arith.sitofp %convert_element_type3A_43 : vector<512x512xi32> to vector<512x512xf32>
    %convert_element_type3A_45 = arith.truncf %convert_element_type3A_44 : vector<512x512xf32> to vector<512x512xf8E4M3FN>
    %get3A_46 = arith.constant 2 : index
    %get3A_47 = arith.constant 0 : index
    %get3A_48 = arith.constant 0 : index
    %get3A_49 = vector.load %arg2[%get3A_46, %get3A_47, %get3A_48] : memref<6x512x1024xf8E4M3FN, #tpu.memory_space<vmem>>, vector<1x512x1024xf8E4M3FN>
    %get3A_50 = vector.shape_cast %get3A_49 : vector<1x512x1024xf8E4M3FN> to vector<512x1024xf8E4M3FN>
    %dot_general3A_51 = arith.constant dense<0.000000e+00> : vector<512x1024xf32>
    %dot_general3A_52 = tpu.matmul %convert_element_type3A_45, %get3A_50, %dot_general3A_51 {dimension_numbers = #tpu.dot_dimension_numbers<[1], [0], [0], [1], [0, 0, 1, 1], [], []>, transpose_lhs_hint = false} : vector<512x512xf8E4M3FN>, vector<512x1024xf8E4M3FN>, vector<512x1024xf32> -> vector<512x1024xf32>
    %add3A_53 = arith.addf %add3A_33, %dot_general3A_52 : vector<512x1024xf32>
    %get3A_54 = arith.constant 0 : index
    %get3A_55 = arith.constant 3 : index
    %get3A_56 = arith.constant 0 : index
    %get3A_57 = vector.load %arg1[%get3A_54, %get3A_55, %get3A_56] : memref<1x6x512xi32, #tpu.memory_space<vmem>>, vector<1x1x512xi32>
    %get3A_58 = vector.shape_cast %get3A_57 : vector<1x1x512xi32> to vector<512xi32>
    %reshape3A_59 = vector.shape_cast %get3A_58 : vector<512xi32> to vector<512x1xi32>
    %iota3A_60 = tpu.iota {dimensions = array<i32: 1>} : vector<512x512xi32>
    %eq3A_61 = vector.broadcast %reshape3A_59 : vector<512x1xi32> to vector<512x512xi32>
    %eq3A_62 = arith.cmpi eq, %iota3A_60, %eq3A_61 : vector<512x512xi32>
    %convert_element_type3A_63 = arith.extui %eq3A_62 : vector<512x512xi1> to vector<512x512xi32>
    %convert_element_type3A_64 = arith.sitofp %convert_element_type3A_63 : vector<512x512xi32> to vector<512x512xf32>
    %convert_element_type3A_65 = arith.truncf %convert_element_type3A_64 : vector<512x512xf32> to vector<512x512xf8E4M3FN>
    %get3A_66 = arith.constant 3 : index
    %get3A_67 = arith.constant 0 : index
    %get3A_68 = arith.constant 0 : index
    %get3A_69 = vector.load %arg2[%get3A_66, %get3A_67, %get3A_68] : memref<6x512x1024xf8E4M3FN, #tpu.memory_space<vmem>>, vector<1x512x1024xf8E4M3FN>
    %get3A_70 = vector.shape_cast %get3A_69 : vector<1x512x1024xf8E4M3FN> to vector<512x1024xf8E4M3FN>
    %dot_general3A_71 = arith.constant dense<0.000000e+00> : vector<512x1024xf32>
    %dot_general3A_72 = tpu.matmul %convert_element_type3A_65, %get3A_70, %dot_general3A_71 {dimension_numbers = #tpu.dot_dimension_numbers<[1], [0], [0], [1], [0, 0, 1, 1], [], []>, transpose_lhs_hint = false} : vector<512x512xf8E4M3FN>, vector<512x1024xf8E4M3FN>, vector<512x1024xf32> -> vector<512x1024xf32>
    %add3A_73 = arith.addf %add3A_53, %dot_general3A_72 : vector<512x1024xf32>
    %get3A_74 = arith.constant 0 : index
    %get3A_75 = arith.constant 4 : index
    %get3A_76 = arith.constant 0 : index
    %get3A_77 = vector.load %arg1[%get3A_74, %get3A_75, %get3A_76] : memref<1x6x512xi32, #tpu.memory_space<vmem>>, vector<1x1x512xi32>
    %get3A_78 = vector.shape_cast %get3A_77 : vector<1x1x512xi32> to vector<512xi32>
    %reshape3A_79 = vector.shape_cast %get3A_78 : vector<512xi32> to vector<512x1xi32>
    %iota3A_80 = tpu.iota {dimensions = array<i32: 1>} : vector<512x512xi32>
    %eq3A_81 = vector.broadcast %reshape3A_79 : vector<512x1xi32> to vector<512x512xi32>
    %eq3A_82 = arith.cmpi eq, %iota3A_80, %eq3A_81 : vector<512x512xi32>
    %convert_element_type3A_83 = arith.extui %eq3A_82 : vector<512x512xi1> to vector<512x512xi32>
    %convert_element_type3A_84 = arith.sitofp %convert_element_type3A_83 : vector<512x512xi32> to vector<512x512xf32>
    %convert_element_type3A_85 = arith.truncf %convert_element_type3A_84 : vector<512x512xf32> to vector<512x512xf8E4M3FN>
    %get3A_86 = arith.constant 4 : index
    %get3A_87 = arith.constant 0 : index
    %get3A_88 = arith.constant 0 : index
    %get3A_89 = vector.load %arg2[%get3A_86, %get3A_87, %get3A_88] : memref<6x512x1024xf8E4M3FN, #tpu.memory_space<vmem>>, vector<1x512x1024xf8E4M3FN>
    %get3A_90 = vector.shape_cast %get3A_89 : vector<1x512x1024xf8E4M3FN> to vector<512x1024xf8E4M3FN>
    %dot_general3A_91 = arith.constant dense<0.000000e+00> : vector<512x1024xf32>
    %dot_general3A_92 = tpu.matmul %convert_element_type3A_85, %get3A_90, %dot_general3A_91 {dimension_numbers = #tpu.dot_dimension_numbers<[1], [0], [0], [1], [0, 0, 1, 1], [], []>, transpose_lhs_hint = false} : vector<512x512xf8E4M3FN>, vector<512x1024xf8E4M3FN>, vector<512x1024xf32> -> vector<512x1024xf32>
    %add3A_93 = arith.addf %add3A_73, %dot_general3A_92 : vector<512x1024xf32>
    %get3A_94 = arith.constant 0 : index
    %get3A_95 = arith.constant 5 : index
    %get3A_96 = arith.constant 0 : index
    %get3A_97 = vector.load %arg1[%get3A_94, %get3A_95, %get3A_96] : memref<1x6x512xi32, #tpu.memory_space<vmem>>, vector<1x1x512xi32>
    %get3A_98 = vector.shape_cast %get3A_97 : vector<1x1x512xi32> to vector<512xi32>
    %reshape3A_99 = vector.shape_cast %get3A_98 : vector<512xi32> to vector<512x1xi32>
    %iota3A_100 = tpu.iota {dimensions = array<i32: 1>} : vector<512x512xi32>
    %eq3A_101 = vector.broadcast %reshape3A_99 : vector<512x1xi32> to vector<512x512xi32>
    %eq3A_102 = arith.cmpi eq, %iota3A_100, %eq3A_101 : vector<512x512xi32>
    %convert_element_type3A_103 = arith.extui %eq3A_102 : vector<512x512xi1> to vector<512x512xi32>
    %convert_element_type3A_104 = arith.sitofp %convert_element_type3A_103 : vector<512x512xi32> to vector<512x512xf32>
    %convert_element_type3A_105 = arith.truncf %convert_element_type3A_104 : vector<512x512xf32> to vector<512x512xf8E4M3FN>
    %get3A_106 = arith.constant 5 : index
    %get3A_107 = arith.constant 0 : index
    %get3A_108 = arith.constant 0 : index
    %get3A_109 = vector.load %arg2[%get3A_106, %get3A_107, %get3A_108] : memref<6x512x1024xf8E4M3FN, #tpu.memory_space<vmem>>, vector<1x512x1024xf8E4M3FN>
    %get3A_110 = vector.shape_cast %get3A_109 : vector<1x512x1024xf8E4M3FN> to vector<512x1024xf8E4M3FN>
    %dot_general3A_111 = arith.constant dense<0.000000e+00> : vector<512x1024xf32>
    %dot_general3A_112 = tpu.matmul %convert_element_type3A_105, %get3A_110, %dot_general3A_111 {dimension_numbers = #tpu.dot_dimension_numbers<[1], [0], [0], [1], [0, 0, 1, 1], [], []>, transpose_lhs_hint = false} : vector<512x512xf8E4M3FN>, vector<512x1024xf8E4M3FN>, vector<512x1024xf32> -> vector<512x1024xf32>
    %add3A_113 = arith.addf %add3A_93, %dot_general3A_112 : vector<512x1024xf32>
    %mul3A = arith.constant 1.250000e-01 : f32
    %mul3A_114 = vector.broadcast %mul3A : f32 to vector<512x1024xf32>
    %mul3A_115 = arith.mulf %add3A_113, %mul3A_114 : vector<512x1024xf32>
    %tanh3A = math.tanh %mul3A_115 : vector<512x1024xf32>
    %mul3A_116 = arith.constant 8.000000e+00 : f32
    %mul3A_117 = vector.broadcast %mul3A_116 : f32 to vector<512x1024xf32>
    %mul3A_118 = arith.mulf %tanh3A, %mul3A_117 : vector<512x1024xf32>
    %convert_element_type3A_119 = arith.truncf %mul3A_118 : vector<512x1024xf32> to vector<512x1024xf8E4M3FN>
    %get3A_120 = arith.constant 0 : index
    %get3A_121 = arith.constant 0 : index
    %get3A_122 = vector.load %arg3[%get3A_120, %get3A_121] : memref<1024x1024xf8E4M3FN, #tpu.memory_space<vmem>>, vector<1024x1024xf8E4M3FN>
    %dot_general3A_123 = arith.constant dense<0.000000e+00> : vector<512x1024xf32>
    %dot_general3A_124 = tpu.matmul %convert_element_type3A_119, %get3A_122, %dot_general3A_123 {dimension_numbers = #tpu.dot_dimension_numbers<[1], [0], [0], [1], [0, 0, 1, 1], [], []>, transpose_lhs_hint = false} : vector<512x1024xf8E4M3FN>, vector<1024x1024xf8E4M3FN>, vector<512x1024xf32> -> vector<512x1024xf32>
    %mul3A_125 = arith.constant 7.812500e-03 : f32
    %mul3A_126 = vector.broadcast %mul3A_125 : f32 to vector<512x1024xf32>
    %mul3A_127 = arith.mulf %dot_general3A_124, %mul3A_126 : vector<512x1024xf32>
    %sub3A = arith.constant 1.000000e+00 : f32
    %sub3A_128 = vector.broadcast %sub3A : f32 to vector<512x1024xf32>
    %sub3A_129 = arith.subf %mul3A_127, %sub3A_128 : vector<512x1024xf32>
    %mul3A_130 = arith.mulf %sub3A_129, %sub3A_129 : vector<512x1024xf32>
    %reduce_sum3A = vector.shape_cast %mul3A_130 : vector<512x1024xf32> to vector<1x512x1024xf32>
    %reduce_sum3A_131 = arith.constant dense<0.000000e+00> : vector<1xf32>
    %reduce_sum3A_132 = vector.multi_reduction <add>, %reduce_sum3A, %reduce_sum3A_131 [1, 2] : vector<1x512x1024xf32> to vector<1xf32>
    %reduce_sum3A_133 = vector.shape_cast %reduce_sum3A_132 : vector<1xf32> to vector<1x1x1xf32>
    %reduce_sum3A_134 = vector.extract %reduce_sum3A_133[0, 0, 0] : f32 from vector<1x1x1xf32>
    %broadcast_in_dim3A_135 = vector.broadcast %reduce_sum3A_134 : f32 to vector<1x1xf32>
    %eq3A_136 = arith.constant 0 : i32
    %eq3A_137 = arith.cmpi eq, %arg0, %eq3A_136 : i32
    %convert_element_type3A_138 = arith.extui %eq3A_137 : i1 to i32
    %cond3A = arith.constant 0 : i32
    %cond3A_139 = arith.cmpi ne, %convert_element_type3A_138, %cond3A : i32
    scf.if %cond3A_139 {
      %broadcast_in_dim3A_146 = arith.constant 0.000000e+00 : f32
      %broadcast_in_dim3A_147 = vector.broadcast %broadcast_in_dim3A_146 : f32 to vector<1x1xf32>
      %swap3A_148 = arith.constant 0 : index
      %swap3A_149 = arith.constant 0 : index
      %swap3A_150 = vector.load %arg4[%swap3A_148, %swap3A_149] : memref<1x1xf32, #tpu.memory_space<vmem>>, vector<1x1xf32>
      tpu.vector_store %arg4[%swap3A_148, %swap3A_149], %broadcast_in_dim3A_147 {strides = array<i32>} : memref<1x1xf32, #tpu.memory_space<vmem>>, vector<1x1xf32>,
    } else {
    }
    %get3A_140 = arith.constant 0 : index
    %get3A_141 = arith.constant 0 : index
    %get3A_142 = vector.load %arg4[%get3A_140, %get3A_141] : memref<1x1xf32, #tpu.memory_space<vmem>>, vector<1x1xf32>
    %add3A_143 = arith.addf %get3A_142, %broadcast_in_dim3A_135 : vector<1x1xf32>
    %swap3A = arith.constant 0 : index
    %swap3A_144 = arith.constant 0 : index
    %swap3A_145 = vector.load %arg4[%swap3A, %swap3A_144] : memref<1x1xf32, #tpu.memory_space<vmem>>, vector<1x1xf32>
    tpu.vector_store %arg4[%swap3A, %swap3A_144], %add3A_143 {strides = array<i32>} : memref<1x1xf32, #tpu.memory_space<vmem>>, vector<1x1xf32>,
    return
  }
  func.func @transform_0(%arg0: i32) -> (i32, i32, i32) {
    %c0_i32 = arith.constant 0 : i32
    %c0_i32_0 = arith.constant 0 : i32
    %c0_i32_1 = arith.constant 0 : i32
    return %arg0, %c0_i32, %c0_i32_0 : i32, i32, i32
  }
  func.func @transform_1(%arg0: i32) -> (i32, i32, i32) {
    %c0_i32 = arith.constant 0 : i32
    %c0_i32_0 = arith.constant 0 : i32
    %c0_i32_1 = arith.constant 0 : i32
    %c0_i32_2 = arith.constant 0 : i32
    return %c0_i32, %c0_i32_0, %c0_i32_1 : i32, i32, i32
  }
  func.func @transform_2(%arg0: i32) -> (i32, i32) {
    %c0_i32 = arith.constant 0 : i32
    %c0_i32_0 = arith.constant 0 : i32
    %c0_i32_1 = arith.constant 0 : i32
    return %c0_i32, %c0_i32_0 : i32, i32
  }
  func.func @transform_3(%arg0: i32) -> (i32, i32) {
    %c0_i32 = arith.constant 0 : i32
    %c0_i32_0 = arith.constant 0 : i32
    %c0_i32_1 = arith.constant 0 : i32
    return %c0_i32, %c0_i32_0 : i32, i32
  }
}

module attributes {stable_mosaic.version = 14 : i64} {
  func.func @_consume_kernel(%arg0: i32, %arg1: memref<3072x512xi32, #tpu.memory_space<vmem>>, %arg2: memref<1024x1024xf8E4M3FN, #tpu.memory_space<vmem>>, %arg3: memref<1x1xf32, #tpu.memory_space<vmem>>) attributes {dimension_semantics = [#tpu.dimension_semantics<arbitrary>], iteration_bounds = array<i64: 6>, scalar_prefetch = 0 : i64, scratch_operands = 0 : i64, tpu.core_type = #tpu.core_type<tc>, window_params = [{transform_indices = @transform_0, window_bounds = array<i64: 3072, 512>}, {pipeline_mode = #tpu.pipeline_mode<synchronous>, transform_indices = @transform_1, window_bounds = array<i64: 1024, 1024>}, {pipeline_mode = #tpu.pipeline_mode<synchronous>, transform_indices = @transform_2, window_bounds = array<i64: 1, 1>}]} {
    %broadcast_in_dim3A = arith.constant 0.000000e+00 : f32
    %broadcast_in_dim3A_0 = vector.broadcast %broadcast_in_dim3A : f32 to vector<512x512xf32>
    %broadcast_in_dim3A_1 = arith.constant 0.000000e+00 : f32
    %broadcast_in_dim3A_2 = vector.broadcast %broadcast_in_dim3A_1 : f32 to vector<512x512xf32>
    %get3A = arith.constant 0 : index
    %get3A_3 = arith.constant 0 : index
    %get3A_4 = vector.load %arg1[%get3A, %get3A_3] : memref<3072x512xi32, #tpu.memory_space<vmem>>, vector<512x512xi32>
    %shift_left3A = arith.constant 16 : i32
    %shift_left3A_5 = vector.broadcast %shift_left3A : i32 to vector<512x512xi32>
    %shift_left3A_6 = arith.shli %get3A_4, %shift_left3A_5 : vector<512x512xi32>
    %bitcast_convert_type3A = tpu.bitcast %shift_left3A_6 : vector<512x512xi32> -> vector<512x512xf32>
    %add3A = arith.addf %broadcast_in_dim3A_0, %bitcast_convert_type3A : vector<512x512xf32>
    %and3A = arith.constant -65536 : i32
    %and3A_7 = vector.broadcast %and3A : i32 to vector<512x512xi32>
    %and3A_8 = arith.andi %get3A_4, %and3A_7 : vector<512x512xi32>
    %bitcast_convert_type3A_9 = tpu.bitcast %and3A_8 : vector<512x512xi32> -> vector<512x512xf32>
    %add3A_10 = arith.addf %broadcast_in_dim3A_2, %bitcast_convert_type3A_9 : vector<512x512xf32>
    %get3A_11 = arith.constant 512 : index
    %get3A_12 = arith.constant 0 : index
    %get3A_13 = vector.load %arg1[%get3A_11, %get3A_12] : memref<3072x512xi32, #tpu.memory_space<vmem>>, vector<512x512xi32>
    %shift_left3A_14 = arith.constant 16 : i32
    %shift_left3A_15 = vector.broadcast %shift_left3A_14 : i32 to vector<512x512xi32>
    %shift_left3A_16 = arith.shli %get3A_13, %shift_left3A_15 : vector<512x512xi32>
    %bitcast_convert_type3A_17 = tpu.bitcast %shift_left3A_16 : vector<512x512xi32> -> vector<512x512xf32>
    %add3A_18 = arith.addf %add3A, %bitcast_convert_type3A_17 : vector<512x512xf32>
    %and3A_19 = arith.constant -65536 : i32
    %and3A_20 = vector.broadcast %and3A_19 : i32 to vector<512x512xi32>
    %and3A_21 = arith.andi %get3A_13, %and3A_20 : vector<512x512xi32>
    %bitcast_convert_type3A_22 = tpu.bitcast %and3A_21 : vector<512x512xi32> -> vector<512x512xf32>
    %add3A_23 = arith.addf %add3A_10, %bitcast_convert_type3A_22 : vector<512x512xf32>
    %get3A_24 = arith.constant 1024 : index
    %get3A_25 = arith.constant 0 : index
    %get3A_26 = vector.load %arg1[%get3A_24, %get3A_25] : memref<3072x512xi32, #tpu.memory_space<vmem>>, vector<512x512xi32>
    %shift_left3A_27 = arith.constant 16 : i32
    %shift_left3A_28 = vector.broadcast %shift_left3A_27 : i32 to vector<512x512xi32>
    %shift_left3A_29 = arith.shli %get3A_26, %shift_left3A_28 : vector<512x512xi32>
    %bitcast_convert_type3A_30 = tpu.bitcast %shift_left3A_29 : vector<512x512xi32> -> vector<512x512xf32>
    %add3A_31 = arith.addf %add3A_18, %bitcast_convert_type3A_30 : vector<512x512xf32>
    %and3A_32 = arith.constant -65536 : i32
    %and3A_33 = vector.broadcast %and3A_32 : i32 to vector<512x512xi32>
    %and3A_34 = arith.andi %get3A_26, %and3A_33 : vector<512x512xi32>
    %bitcast_convert_type3A_35 = tpu.bitcast %and3A_34 : vector<512x512xi32> -> vector<512x512xf32>
    %add3A_36 = arith.addf %add3A_23, %bitcast_convert_type3A_35 : vector<512x512xf32>
    %get3A_37 = arith.constant 1536 : index
    %get3A_38 = arith.constant 0 : index
    %get3A_39 = vector.load %arg1[%get3A_37, %get3A_38] : memref<3072x512xi32, #tpu.memory_space<vmem>>, vector<512x512xi32>
    %shift_left3A_40 = arith.constant 16 : i32
    %shift_left3A_41 = vector.broadcast %shift_left3A_40 : i32 to vector<512x512xi32>
    %shift_left3A_42 = arith.shli %get3A_39, %shift_left3A_41 : vector<512x512xi32>
    %bitcast_convert_type3A_43 = tpu.bitcast %shift_left3A_42 : vector<512x512xi32> -> vector<512x512xf32>
    %add3A_44 = arith.addf %add3A_31, %bitcast_convert_type3A_43 : vector<512x512xf32>
    %and3A_45 = arith.constant -65536 : i32
    %and3A_46 = vector.broadcast %and3A_45 : i32 to vector<512x512xi32>
    %and3A_47 = arith.andi %get3A_39, %and3A_46 : vector<512x512xi32>
    %bitcast_convert_type3A_48 = tpu.bitcast %and3A_47 : vector<512x512xi32> -> vector<512x512xf32>
    %add3A_49 = arith.addf %add3A_36, %bitcast_convert_type3A_48 : vector<512x512xf32>
    %get3A_50 = arith.constant 2048 : index
    %get3A_51 = arith.constant 0 : index
    %get3A_52 = vector.load %arg1[%get3A_50, %get3A_51] : memref<3072x512xi32, #tpu.memory_space<vmem>>, vector<512x512xi32>
    %shift_left3A_53 = arith.constant 16 : i32
    %shift_left3A_54 = vector.broadcast %shift_left3A_53 : i32 to vector<512x512xi32>
    %shift_left3A_55 = arith.shli %get3A_52, %shift_left3A_54 : vector<512x512xi32>
    %bitcast_convert_type3A_56 = tpu.bitcast %shift_left3A_55 : vector<512x512xi32> -> vector<512x512xf32>
    %add3A_57 = arith.addf %add3A_44, %bitcast_convert_type3A_56 : vector<512x512xf32>
    %and3A_58 = arith.constant -65536 : i32
    %and3A_59 = vector.broadcast %and3A_58 : i32 to vector<512x512xi32>
    %and3A_60 = arith.andi %get3A_52, %and3A_59 : vector<512x512xi32>
    %bitcast_convert_type3A_61 = tpu.bitcast %and3A_60 : vector<512x512xi32> -> vector<512x512xf32>
    %add3A_62 = arith.addf %add3A_49, %bitcast_convert_type3A_61 : vector<512x512xf32>
    %get3A_63 = arith.constant 2560 : index
    %get3A_64 = arith.constant 0 : index
    %get3A_65 = vector.load %arg1[%get3A_63, %get3A_64] : memref<3072x512xi32, #tpu.memory_space<vmem>>, vector<512x512xi32>
    %shift_left3A_66 = arith.constant 16 : i32
    %shift_left3A_67 = vector.broadcast %shift_left3A_66 : i32 to vector<512x512xi32>
    %shift_left3A_68 = arith.shli %get3A_65, %shift_left3A_67 : vector<512x512xi32>
    %bitcast_convert_type3A_69 = tpu.bitcast %shift_left3A_68 : vector<512x512xi32> -> vector<512x512xf32>
    %add3A_70 = arith.addf %add3A_57, %bitcast_convert_type3A_69 : vector<512x512xf32>
    %and3A_71 = arith.constant -65536 : i32
    %and3A_72 = vector.broadcast %and3A_71 : i32 to vector<512x512xi32>
    %and3A_73 = arith.andi %get3A_65, %and3A_72 : vector<512x512xi32>
    %bitcast_convert_type3A_74 = tpu.bitcast %and3A_73 : vector<512x512xi32> -> vector<512x512xf32>
    %add3A_75 = arith.addf %add3A_62, %bitcast_convert_type3A_74 : vector<512x512xf32>
    %tanh3A = math.tanh %add3A_70 : vector<512x512xf32>
    %tanh3A_76 = math.tanh %add3A_75 : vector<512x512xf32>
    %concatenate3A = tpu.concatenate %tanh3A, %tanh3A_76 in 1 : vector<512x512xf32>, vector<512x512xf32> -> vector<512x1024xf32>
    %mul3A = arith.constant 8.000000e+00 : f32
    %mul3A_77 = vector.broadcast %mul3A : f32 to vector<512x1024xf32>
    %mul3A_78 = arith.mulf %concatenate3A, %mul3A_77 : vector<512x1024xf32>
    %convert_element_type3A = arith.truncf %mul3A_78 : vector<512x1024xf32> to vector<512x1024xf8E4M3FN>
    %get3A_79 = arith.constant 0 : index
    %get3A_80 = arith.constant 0 : index
    %get3A_81 = vector.load %arg2[%get3A_79, %get3A_80] : memref<1024x1024xf8E4M3FN, #tpu.memory_space<vmem>>, vector<1024x1024xf8E4M3FN>
    %dot_general3A = arith.constant dense<0.000000e+00> : vector<512x1024xf32>
    %dot_general3A_82 = tpu.matmul %convert_element_type3A, %get3A_81, %dot_general3A {dimension_numbers = #tpu.dot_dimension_numbers<[1], [0], [0], [1], [0, 0, 1, 1], [], []>, transpose_lhs_hint = false} : vector<512x1024xf8E4M3FN>, vector<1024x1024xf8E4M3FN>, vector<512x1024xf32> -> vector<512x1024xf32>
    %mul3A_83 = arith.constant 7.812500e-03 : f32
    %mul3A_84 = vector.broadcast %mul3A_83 : f32 to vector<512x1024xf32>
    %mul3A_85 = arith.mulf %dot_general3A_82, %mul3A_84 : vector<512x1024xf32>
    %sub3A = arith.constant 1.000000e+00 : f32
    %sub3A_86 = vector.broadcast %sub3A : f32 to vector<512x1024xf32>
    %sub3A_87 = arith.subf %mul3A_85, %sub3A_86 : vector<512x1024xf32>
    %add3A_88 = arith.constant 10 : i32
    %add3A_89 = arith.addi %add3A_88, %arg0 : i32
    %mul3A_90 = arith.constant 512 : i32
    %mul3A_91 = arith.muli %add3A_89, %mul3A_90 : i32
    %iota3A = tpu.iota {dimensions = array<i32: 0>} : vector<512x1024xi32>
    %add3A_92 = vector.broadcast %mul3A_91 : i32 to vector<512x1024xi32>
    %add3A_93 = arith.addi %add3A_92, %iota3A : vector<512x1024xi32>
    %lt3A = arith.constant 8188 : i32
    %lt3A_94 = vector.broadcast %lt3A : i32 to vector<512x1024xi32>
    %lt3A_95 = arith.cmpi slt, %add3A_93, %lt3A_94 : vector<512x1024xi32>
    %jit3A = arith.constant 0.000000e+00 : f32
    %broadcast_in_dim3A_96 = vector.broadcast %jit3A : f32 to vector<512x1024xf32>
    %select_n3A = arith.select %lt3A_95, %sub3A_87, %broadcast_in_dim3A_96 : vector<512x1024xi1>, vector<512x1024xf32>
    %mul3A_97 = arith.mulf %select_n3A, %select_n3A : vector<512x1024xf32>
    %reduce_sum3A = vector.shape_cast %mul3A_97 : vector<512x1024xf32> to vector<1x512x1024xf32>
    %reduce_sum3A_98 = arith.constant dense<0.000000e+00> : vector<1xf32>
    %reduce_sum3A_99 = vector.multi_reduction <add>, %reduce_sum3A, %reduce_sum3A_98 [1, 2] : vector<1x512x1024xf32> to vector<1xf32>
    %reduce_sum3A_100 = vector.shape_cast %reduce_sum3A_99 : vector<1xf32> to vector<1x1x1xf32>
    %reduce_sum3A_101 = vector.extract %reduce_sum3A_100[0, 0, 0] : f32 from vector<1x1x1xf32>
    %broadcast_in_dim3A_102 = vector.broadcast %reduce_sum3A_101 : f32 to vector<1x1xf32>
    %eq3A = arith.constant 0 : i32
    %eq3A_103 = arith.cmpi eq, %arg0, %eq3A : i32
    %convert_element_type3A_104 = arith.extui %eq3A_103 : i1 to i32
    %cond3A = arith.constant 0 : i32
    %cond3A_105 = arith.cmpi ne, %convert_element_type3A_104, %cond3A : i32
    scf.if %cond3A_105 {
      %broadcast_in_dim3A_112 = arith.constant 0.000000e+00 : f32
      %broadcast_in_dim3A_113 = vector.broadcast %broadcast_in_dim3A_112 : f32 to vector<1x1xf32>
      %swap3A_114 = arith.constant 0 : index
      %swap3A_115 = arith.constant 0 : index
      %swap3A_116 = vector.load %arg3[%swap3A_114, %swap3A_115] : memref<1x1xf32, #tpu.memory_space<vmem>>, vector<1x1xf32>
      tpu.vector_store %arg3[%swap3A_114, %swap3A_115], %broadcast_in_dim3A_113 {strides = array<i32>} : memref<1x1xf32, #tpu.memory_space<vmem>>, vector<1x1xf32>,
    } else {
    }
    %get3A_106 = arith.constant 0 : index
    %get3A_107 = arith.constant 0 : index
    %get3A_108 = vector.load %arg3[%get3A_106, %get3A_107] : memref<1x1xf32, #tpu.memory_space<vmem>>, vector<1x1xf32>
    %add3A_109 = arith.addf %get3A_108, %broadcast_in_dim3A_102 : vector<1x1xf32>
    %swap3A = arith.constant 0 : index
    %swap3A_110 = arith.constant 0 : index
    %swap3A_111 = vector.load %arg3[%swap3A, %swap3A_110] : memref<1x1xf32, #tpu.memory_space<vmem>>, vector<1x1xf32>
    tpu.vector_store %arg3[%swap3A, %swap3A_110], %add3A_109 {strides = array<i32>} : memref<1x1xf32, #tpu.memory_space<vmem>>, vector<1x1xf32>,
    return
  }
  func.func @transform_0(%arg0: i32) -> (i32, i32) {
    %c0_i32 = arith.constant 0 : i32
    %c0_i32_0 = arith.constant 0 : i32
    return %arg0, %c0_i32 : i32, i32
  }
  func.func @transform_1(%arg0: i32) -> (i32, i32) {
    %c0_i32 = arith.constant 0 : i32
    %c0_i32_0 = arith.constant 0 : i32
    %c0_i32_1 = arith.constant 0 : i32
    return %c0_i32, %c0_i32_0 : i32, i32
  }
  func.func @transform_2(%arg0: i32) -> (i32, i32) {
    %c0_i32 = arith.constant 0 : i32
    %c0_i32_0 = arith.constant 0 : i32
    %c0_i32_1 = arith.constant 0 : i32
    return %c0_i32, %c0_i32_0 : i32, i32
  }
}

</mosaic_0001>

<sc_bundles>
// kernel: kernel.6.cloned.1.call-start
scs
__scs_entry_jumppad:
0x0: {  	(pc) =	sbr.rel $0x88, $3  }
0x1: {  	(tag) =	ssettag $0x0;
	lr =	simm.s32 $0x1  }
0x2: {  	[smem:$0x3F9E] =	sst lr;
	_ =	strace $0xD0000000  }
0x3: {  	_ = 	snop  }
0x4: {  	_ = 	snop  }
0x5: {  	_ = 	snop  }
0x6: {  	_ = 	snop  }
0x7: {  	_ = 	snop  }
__scs_overlays_trampoline_lowered:
0x8: {  	[smem:$0x3FAD] =	sst s0  }
0x9: {  	[smem:$0x3FAE] =	sst s1  }
0xa: {  	[smem:$0x3FAF] =	sst s2  }
0xb: {  	[smem:$0x3FB0] =	sst s3  }
0xc: {  	[smem:$0x3FB1] =	sst s4  }
0xd: {  	[smem:$0x3FB2] =	sst s5  }
0xe: {  	[smem:$0x3FB3] =	sst s6  }
0xf: {  	[smem:$0x3FB4] =	sst s7  }
0x10: {  	[smem:$0x3FB5] =	sst s8  }
0x11: {  	[smem:$0x3FB6] =	sst s9;
	s0 =	simm.s32 @!p0 $0x0  }
0x12: {  	s1 =	sld [smem:$0x3F9C];
	s0 =	simm.s32 @p0 $0x1  }
0x13: {  	[smem:$0x3FB7] =	sst s0;
	s0 =	simm.s32 @!p1 $0x0  }
0x14: {  	s2 =	sld [smem:$0x3F9B];
	s0 =	simm.s32 @p1 $0x1  }
0x15: {  	[smem:$0x3FB8] =	sst s0;
	s0 =	simm.s32 @!p2 $0x0  }
0x16: {  	s3 =	sld [smem:$0x3FDB];
	s0 =	simm.s32 @p2 $0x1  }
0x17: {  	s4 =	simm.s32 $0x1BF5;
	[smem:$0x3FBA] =	sst s0  }
0x18: {  	s0 =	sld [smem:$0x3F9D];
	_ =	swait.ge [sflag:s4], $0x0  }
0x19: {  	s7 =	sld [smem:$0x3F9E]  }
0x1a: {  	s8 =	sadd.s32 $0xFFFFE003, lr  }
0x1b: {  	s9 =	sadd.s32 $0xFFFFFEF7, lr;
	s5 =	simm.s32 $0xFFFFFFFF;
	p2 =	slt.u32 s8, $0xFFFFF086  }
0x1c: {  	p1 =	slt.u32 s9, $0xF7A;
	s5 =	simm.s32 @!p2 $0x0  }
0x1d: {  	s5 =	simm.s32 @p1 $0x1;
	p0 =	seq.s32 s7, s2  }
0x1e: {  	s7 =	smul.u32 @!p0 $0xF7A, s2;
	p2 =	seq.s32 @!p0 s5, $0x0  }
0x1f: {  	s9 =	smul.u32 $0xF7A, s1;
	s8 =	simm.s32 @!p0 $0x1BF5;
	p2 =	por !p2, p0  }
0x20: {  	[sflag:s8] =	ssyncset.s32 @!p0 $0xFFFFF086;
	s6 =	sadd.s32 @!p0 s3, s7;
	s7 =	simm.s32 @!p0 $0x108  }
0x21: {  	s3 =	sadd.s32 s3, s9;
	s6 =	sadd.s32 @!p0 $0x88, s6;
	s7 =	simm.s32 @p2 $0x1082  }
0x22: {  	[simem:s7], [sflag:s8] =	dma.local @!p0 [hbm:s6], $0xF7A  }
0x23: {  	s9 =	sor.u32 $0xD0000000, s2;
	s6 =	simm.s32 $0x108;
	_ =	swait.ge @!p0 [sflag:s8], $0x0  }
0x24: {  	s3 =	sadd.s32 $0x88, s3;
	s6 =	simm.s32 @!p1 $0x1082;
	[sflag:s4] =	ssyncset.s32 $0xFFFFF086  }
0x25: {  	[simem:s6], [sflag:s4] =	dma.local [hbm:s3], $0xF7A  }
0x26: {  	[smem:$0x3F9E] =	sst s1;
	(tag) =	ssettag s2;
	_ =	strace s9  }
0x27: {  	s1 =	sld [smem:$0x3FAE]  }
0x28: {  	s2 =	sld [smem:$0x3FAF]  }
0x29: {  	s4 =	sld [smem:$0x3FB1]  }
0x2a: {  	p0 =	seq.s32 s5, $0x0;
	s5 =	sld [smem:$0x3FB2]  }
0x2b: {  	s6 =	sld [smem:$0x3FB3]  }
0x2c: {  	s7 =	sld [smem:$0x3FB4]  }
0x2d: {  	s3 =	simm.s32 $0x108;
	s8 =	sld [smem:$0x3FB5]  }
0x2e: {  	s3 =	simm.s32 @!p0 $0x1082;
	s9 =	sld [smem:$0x3FB6]  }
0x2f: {  	lr =	sadd.s32 s0, s3;
	s0 =	sld [smem:$0x3FAD]  }
0x30: {  	s3 =	sld [smem:$0x3FB0]  }
0x31: {  	[smem:$0x3FB9] =	sst s10  }
0x32: {  	s10 =	sld [smem:$0x3FB7];
	_ =	sdelay $0x3  }
0x33: {  	p0 =	seq.s32 s10, $0x1;
	s10 =	sld [smem:$0x3FB9];
	_ =	sdelay $0x3  }
0x34: {  	[smem:$0x3FB9] =	sst s10  }
0x35: {  	s10 =	sld [smem:$0x3FB8];
	_ =	sdelay $0x3  }
0x36: {  	p1 =	seq.s32 s10, $0x1;
	s10 =	sld [smem:$0x3FB9];
	_ =	sdelay $0x3  }
0x37: {  	[smem:$0x3FB9] =	sst s10  }
0x38: {  	s10 =	sld [smem:$0x3FBA]  }
0x39: {  	_ = 	snop;
	(pc) =	sbr.ind lr, $3  }
0x3a: {  	_ = 	snop  }
0x3b: {  	_ = 	snop  }
0x3c: {  	p2 =	seq.s32 s10, $0x1;
	s10 =	sld [smem:$0x3FB9]  }
0x3d: {  	_ =	shalt  }
0x3e: {  	_ =	shalt  }
0x3f: {  	_ =	shalt  }
0x40: {  	_ =	shalt  }
0x41: {  	_ =	shalt  }
0x42: {  	_ =	shalt  }
0x43: {  	_ =	shalt  }
0x44: {  	_ =	shalt  }
0x45: {  	_ =	shalt  }
0x46: {  	_ =	shalt  }
0x47: {  	_ =	shalt  }
0x48: {  	_ =	shalt  }
0x49: {  	_ =	shalt  }
0x4a: {  	_ =	shalt  }
0x4b: {  	_ =	shalt  }
0x4c: {  	_ =	shalt  }
0x4d: {  	_ =	shalt  }
0x4e: {  	_ =	shalt  }
0x4f: {  	_ =	shalt  }
0x50: {  	_ =	shalt  }
0x51: {  	_ =	shalt  }
0x52: {  	_ =	shalt  }
0x53: {  	_ =	shalt  }
0x54: {  	_ =	shalt  }
0x55: {  	_ =	shalt  }
0x56: {  	_ =	shalt  }
0x57: {  	_ =	shalt  }
0x58: {  	_ =	shalt  }
0x59: {  	_ =	shalt  }
0x5a: {  	_ =	shalt  }
0x5b: {  	_ =	shalt  }
0x5c: {  	_ =	shalt  }
0x5d: {  	_ =	shalt  }
0x5e: {  	_ =	shalt  }
0x5f: {  	_ =	shalt  }
0x60: {  	_ =	shalt  }
0x61: {  	_ =	shalt  }
0x62: {  	_ =	shalt  }
0x63: {  	_ =	shalt  }
0x64: {  	_ =	shalt  }
0x65: {  	_ =	shalt  }
0x66: {  	_ =	shalt  }
0x67: {  	_ =	shalt  }
0x68: {  	_ =	shalt  }
0x69: {  	_ =	shalt  }
0x6a: {  	_ =	shalt  }
0x6b: {  	_ =	shalt  }
0x6c: {  	_ =	shalt  }
0x6d: {  	_ =	shalt  }
0x6e: {  	_ =	shalt  }
0x6f: {  	_ =	shalt  }
0x70: {  	_ =	shalt  }
0x71: {  	_ =	shalt  }
0x72: {  	_ =	shalt  }
0x73: {  	_ =	shalt  }
0x74: {  	_ =	shalt  }
0x75: {  	_ =	shalt  }
0x76: {  	_ =	shalt  }
0x77: {  	_ =	shalt  }
0x78: {  	_ =	shalt  }
0x79: {  	_ =	shalt  }
0x7a: {  	_ =	shalt  }
0x7b: {  	_ =	shalt  }
0x7c: {  	_ =	shalt  }
0x7d: {  	_ =	shalt  }
0x7e: {  	_ =	shalt  }
0x7f: {  	_ =	shalt  }
0x80: {  	_ =	shalt  }
0x81: {  	_ =	shalt  }
0x82: {  	_ =	shalt  }
0x83: {  	_ =	shalt  }
0x84: {  	_ =	shalt  }
0x85: {  	_ =	shalt  }
0x86: {  	_ =	shalt  }
0x87: {  	_ =	shalt  }
.Lfunc_end0:
.L_simem_size_0:
called_computation_lowered:
.L_overlay_start_0:
0x88: {  	s2 =	sld [smem:$0x3FD9]  }
0x89: {  	s3 =	sld [smem:$0x3FFE];
	_ =	sdelay $0x1  }
0x8a: {  	s1 =	srdreg.scid  }
0x8b: {  	s0 =	sand.u32 $0x1, s1  }
0x8c: {  	s16 =	sshll.u32 s0, $0xA;
	s2 =	sadd.s32 s3, s2  }
0x8d: {  	s2 =	sadd.s32 s2, s16  }
0x8e: {  	[smem:$0x3FC5] =	sst s2  }
0x8f: {  	_ = 	snop  }
0x90: {  	(tm) =	ssettm $0x1  }
0x91: {  	s17 =	sld [smem:$0x3FFB];
	_ =	sdelay $0x3  }
0x92: {  	_ =	strace s17  }
0x93: {  	s2 =	sld [smem:$0x3FFC];
	_ =	sdelay $0x3  }
0x94: {  	_ =	strace s2  }
0x95: {  	s2 =	sld [smem:$0x3FFD];
	_ =	sdelay $0x3  }
0x96: {  	_ =	strace s2  }
0x97: {  	_ =	strace $0x8FFFFFFF  }
0x98: {  	s18 =	sld [smem:$0x3FDB];
	_ =	sdelay $0x1  }
0x99: {  	s19 =	simm.s32 $_scs_section_size  }
0x9a: {  	s4 =	simm.s32 $_size__tile_overlayer_lowered;
	s5 =	simm.s32 $_tile_overlayer_lowered  }
0x9b: {  	s22 =	simm.s32 $0x1BFF;
	s21 =	sshll.u32 s5, $0x1;
	s2 =	sadd.s32 s19, s18  }
0x9c: {  	s6 =	simm.s32 $0x0;
	s20 =	sshll.u32 s4, $0x1;
	s4 =	sadd.s32 s21, s2  }
0x9d: {  	[timem:s6], [sflag:s22] =	dma.local [hbm:s4], s20  }
0x9e: {  	_ =	swait.ge [sflag:s22], s20  }
0x9f: {  	s3 =	ssub.s32 $0x0, s20;
	[sflag:s22] =	ssyncset.done $0x0  }
0xa0: {  	[sflag:s22] =	ssyncadd.s32 s3;
	_ =	sdelay $0x1  }
0xa1: {  	s23 =	simm.s32 $0x1B8B  }
0xa2: {  	_ =	swait.ge [sflag:s23], $0x1  }
0xa3: {  	[sflag:s23] =	ssyncset.done $0x0  }
0xa4: {  	s25 =	simm.s32 $0x1B8E;
	s24 =	sld [smem:$0x3FFE];
	[sflag:s23] =	ssyncadd.s32 $0xFFFFFFFF  }
0xa5: {  	s26 =	simm.s32 $execute0_lowered;
	[smem:$0x3FD2] =	sst s25  }
0xa6: {  	s4 =	sshll.u32 s26, $0x1;
	_ =	strace $0x80000046;
	[dreg:$0x1] =	wrdreg $0xFFFFFFFF  }
0xa7: {  	s28 =	simm.s32 $_size_execute0_lowered;
	s2 =	sadd.s32 s2, s4;
	[dreg:$0x0] =	wrdreg $0x0  }
0xa8: {  	s4 =	sshll.u32 s28, $0x1;
	[dreg:$0x2] =	wrdreg s2  }
0xa9: {  	[dreg:$0x3] =	wrdreg s4  }
0xaa: {  	[dreg:$0x4] =	wrdreg $0xC0  }
0xab: {  	_ =	task [dreg:s6], $0x5FFFF  }
0xac: {  	[dreg:$0x1] =	wrdreg $0xFFFFFFFF  }
0xad: {  	[dreg:$0x0] =	wrdreg $0x60  }
0xae: {  	[dreg:$0x2] =	wrdreg s24  }
0xaf: {  	[dreg:$0x3] =	wrdreg $0x9  }
0xb0: {  	_ =	task.clear_ibuf [dreg:s6], $0x4FFFF;
	_ =	strace $0x90000046  }
0xb1: {  	s29 =	simm.s32 $0x9;
	_ =	strace $0x80000048  }
0xb2: {  	_ =	swait.ge [sflag:s29], $0x1  }
0xb3: {  	[sflag:s29] =	ssyncadd.s32 $0xFFFFFFFF  }
0xb4: {  	_ =	strace $0x90000048  }
0xb5: {  	_ =	sfence  }
0xb6: {  	s30 =	sld [smem:$0x0];
	_ =	sdelay $0x2  }
0xb7: {  	s31 =	sshll.u32 s1, $0xD;
	s1 =	sshrl.u32 s1, $0x2  }
0xb8: {  	s3 =	sand.u32 $0x4000, s31;
	s1 =	sadd.s32 s1, s30  }
0xb9: {  	s0 =	sor.u32 s3, s0;
	s1 =	sshll.u32 s1, $0x11  }
0xba: {  	s0 =	sor.u32 s1, s0  }
0xbb: {  	s0 =	sadd.s32 $0x8F2B, s0  }
0xbc: {  	[sflag:s0] =	ssyncadd.remote.s32 $0x1  }
0xbd: {  	_ =	sfence.sel $0xFFFF  }
0xbe: {  	[dreg:$0x0] =	wrdreg $0xFFFFFFFF;
	(pc) =	sbr.abs _section_cstart, $3  }
0xbf: {  	[dreg:$0x1] =	wrdreg $0xFFFFFFFF  }
0xc0: {  	_ =	task.clear_ibuf [dreg:s6], $0x2FFFF;
	_ =	strace $0x9FFFFFFF  }
0xc1: {  	(tm) =	ssettm $0x7FFFFFFF  }
tec
execute0_lowered:
.L_overlay_start_1:
0x0: {  	(tag) =	ssettag $0x1  }
0x1: {  	s0 =	srdreg.scid  }
0x2: {  	s1 =	stileid.u32;
	s4 =	rddreg [dreg:$0x0];
	s2 =	simm.s32 $0x0  }
0x3: {  	s30 =	simm.s32 $0x1;
	s31 =	simm.s32 $0x3;
	s7 =	simm.s32 $0x280  }
0x4: {  	s9 =	simm.s32 $0xA80;
	s10 =	simm.s32 $0x1280;
	s11 =	simm.s32 $0x1A80  }
0x5: {  	s12 =	simm.s32 $0x2280;
	s13 =	simm.s32 $0x2A80;
	s14 =	simm.s32 $0x3280  }
0x6: {  	s15 =	simm.s32 $0x3A80;
	s16 =	simm.s32 $0x4280;
	s17 =	simm.s32 $0x4A80  }
0x7: {  	s18 =	simm.s32 $0x5280;
	s0 =	sand.u32 $0x1, s0;
	s1 =	sshll.u32 s1, $0x1  }
0x8: {  	s19 =	simm.s32 $0x5A80;
	s20 =	simm.s32 $0x6280;
	s1 =	sor.u32 s0, s1  }
0x9: {  	s28 =	simm.s32 $0x9A80;
	s29 =	simm.s32 $0xA280;
	s3 =	smul.u32 $0x48, s1  }
0xa: {  	[smem:$0x7FF] =	sst s2;
	s0 =	ssub.s32 $0x2, s0;
	s5 =	smul.u32 $0x48000, s1  }
0xb: {  	s6 =	sadd.s32 $0x31600, s4;
	s1 =	smul.u32 $0x9000, s1;
	s25 =	sshrl.u32 s0, $0x1  }
0xc: {  	_ =	strace $0x80000047;
	s0 =	ssub.s32 s0, s25;
	s25 =	simm.s32 $0x8A80  }
0xd: {  	s3 =	sadd.s32 s3, s4;
	s5 =	sshrl.u32 s5, $0x3;
	s1 =	sadd.s32 s6, s1  }
0xe: {  	s3 =	sadd.s32 $0xC00, s3;
	s5 =	sadd.s32 s6, s5;
	[dreg:$0x3] =	wrdreg s1  }
0xf: {  	s6 =	simm.s32 $0x4;
	[dreg:$0x2] =	wrdreg s3;
	s21 =	sadd.s32 $0x1800, s5  }
0x10: {  	s22 =	sadd.s32 $0x3000, s5;
	s3 =	sadd.s32 $0x1600, s4;
	[dreg:$0x4] =	wrdreg s21  }
0x11: {  	s23 =	sadd.s32 $0x4800, s5;
	s24 =	sadd.s32 $0x6000, s5;
	[dreg:$0x5] =	wrdreg s22  }
0x12: {  	s26 =	sadd.s32 $0x7800, s5;
	s4 =	sadd.s32 $0x1700, s4;
	[dreg:$0x6] =	wrdreg s23  }
0x13: {  	v2 =	vlaneseq.u32;
	s5 =	smax.u32 s0, $0x1;
	s0 =	simm.s32 $0x2;
	[dreg:$0x7] =	wrdreg s24  }
0x14: {  	vm0 =	vmmov $0xffff;
	v1 =	vshrl.u32 v2, $0x3;
	[dreg:$0x8] =	wrdreg s26;
	s21 =	simm.s32 $0x6A80;
	s22 =	simm.s32 $0x7280  }
0x15: {  	v0 =	vand.u32 $0x7, v2;
	v2 =	vor.u32 $0x8, v2;
	v1 =	vmul.u32 $0x8, v1;
	s23 =	simm.s32 $0x7A80;
	s24 =	simm.s32 $0x8280;
	s26 =	simm.s32 $0x9280  }
.LBB2_1:
0x16: {  	s8 =	rddreg [dreg:$0x2];
	s1 =	simm.s32 $0x5  }
0x17: {  	[tilespmem:s2], [sflag:$0x5] =	stream.linear.gather [hbm4b:s8+s2], $0x240, $0x38;
	[tilespmem:$0x18280] =	vst v63  }
0x18: {  	_ =	swait.ge [sflag:s1], $0x240  }
0x19: {  	[sflag:s1] =	ssyncset.done $0x0  }
0x1a: {  	[sflag:s1] =	ssyncadd.s32 $0xFFFFFDC0  }
0x1b: {  	v3 =	vld [tilespmem:$0x0];
	_ =	sdelay $0x4  }
0x1c: {  	v4 =	vshll.u32 v3, $0x2  }
0x1d: {  	v3 =	vand.u32 $0x7, v3;
	v4 =	vand.u32 $0xFFFFFFE0, v4  }
0x1e: {  	v3 =	vor.u32 v3, v4  }
0x1f: {  	v4 =	vperm.xlane v3, v0;
	_ =	sdelay $0x1  }
0x20: {  	v4 =	vadd.s32 v1, v4;
	_ =	sdelay $0x1  }
0x21: {  	v3 =	vperm.xlane v3, v2;
	_ =	sdelay $0x1  }
0x22: {  	v3 =	vadd.s32 v1, v3  }
0x23: {  	[tilespmem:s7], [sflag:$0x1] =	stream.indirect_vreg.gather [hbm4b:s3+s2], $0x80, v4, vm0, $0xb8;
	[tilespmem:$0x18280] =	vst v63  }
0x24: {  	_ = 	snop  }
0x25: {  	[tilespmem:s9], [sflag:$0x1] =	stream.indirect_vreg.gather [hbm4b:s4+s2], $0x80, v4, vm0, $0xb8;
	[tilespmem:$0x18280] =	vst v63  }
0x26: {  	_ = 	snop  }
0x27: {  	[tilespmem:s10], [sflag:$0x1] =	stream.indirect_vreg.gather [hbm4b:s3+s2], $0x80, v3, vm0, $0xb8;
	[tilespmem:$0x18280] =	vst v63  }
0x28: {  	_ = 	snop  }
0x29: {  	[tilespmem:s11], [sflag:$0x1] =	stream.indirect_vreg.gather [hbm4b:s4+s2], $0x80, v3, vm0, $0xb8;
	[tilespmem:$0x18280] =	vst v63  }
0x2a: {  	v3 =	vld [tilespmem:$0x10];
	_ =	sdelay $0x4  }
0x2b: {  	v29 =	vshll.u32 v3, $0x2  }
0x2c: {  	v3 =	vand.u32 $0x7, v3;
	v4 =	vand.u32 $0xFFFFFFE0, v29  }
0x2d: {  	v3 =	vor.u32 v3, v4  }
0x2e: {  	v4 =	vperm.xlane v3, v0;
	_ =	sdelay $0x1  }
0x2f: {  	v4 =	vadd.s32 v1, v4;
	_ =	sdelay $0x1  }
0x30: {  	v3 =	vperm.xlane v3, v2;
	_ =	sdelay $0x1  }
0x31: {  	v3 =	vadd.s32 v1, v3  }
0x32: {  	[tilespmem:s12], [sflag:$0x1] =	stream.indirect_vreg.gather [hbm4b:s3+s2], $0x80, v4, vm0, $0xb8;
	[tilespmem:$0x18280] =	vst v63  }
0x33: {  	_ = 	snop  }
0x34: {  	[tilespmem:s13], [sflag:$0x1] =	stream.indirect_vreg.gather [hbm4b:s4+s2], $0x80, v4, vm0, $0xb8;
	[tilespmem:$0x18280] =	vst v63  }
0x35: {  	_ = 	snop  }
0x36: {  	[tilespmem:s14], [sflag:$0x1] =	stream.indirect_vreg.gather [hbm4b:s3+s2], $0x80, v3, vm0, $0xb8;
	[tilespmem:$0x18280] =	vst v63  }
0x37: {  	_ = 	snop  }
0x38: {  	[tilespmem:s15], [sflag:$0x1] =	stream.indirect_vreg.gather [hbm4b:s4+s2], $0x80, v3, vm0, $0xb8;
	[tilespmem:$0x18280] =	vst v63  }
0x39: {  	v3 =	vld [tilespmem:$0x20];
	_ =	sdelay $0x4  }
0x3a: {  	v30 =	vshll.u32 v3, $0x2  }
0x3b: {  	v3 =	vand.u32 $0x7, v3;
	v4 =	vand.u32 $0xFFFFFFE0, v30  }
0x3c: {  	v3 =	vor.u32 v3, v4  }
0x3d: {  	v4 =	vperm.xlane v3, v0;
	_ =	sdelay $0x1  }
0x3e: {  	v4 =	vadd.s32 v1, v4;
	_ =	sdelay $0x1  }
0x3f: {  	v3 =	vperm.xlane v3, v2;
	_ =	sdelay $0x1  }
0x40: {  	v3 =	vadd.s32 v1, v3  }
0x41: {  	[tilespmem:s16], [sflag:$0x1] =	stream.indirect_vreg.gather [hbm4b:s3+s2], $0x80, v4, vm0, $0xb8;
	[tilespmem:$0x18280] =	vst v63  }
0x42: {  	_ = 	snop  }
0x43: {  	[tilespmem:s17], [sflag:$0x1] =	stream.indirect_vreg.gather [hbm4b:s4+s2], $0x80, v4, vm0, $0xb8;
	[tilespmem:$0x18280] =	vst v63  }
0x44: {  	_ = 	snop  }
0x45: {  	[tilespmem:s18], [sflag:$0x1] =	stream.indirect_vreg.gather [hbm4b:s3+s2], $0x80, v3, vm0, $0xb8;
	[tilespmem:$0x18280] =	vst v63  }
0x46: {  	_ = 	snop  }
0x47: {  	[tilespmem:s19], [sflag:$0x1] =	stream.indirect_vreg.gather [hbm4b:s4+s2], $0x80, v3, vm0, $0xb8;
	[tilespmem:$0x18280] =	vst v63  }
0x48: {  	v3 =	vld [tilespmem:$0x30];
	_ =	sdelay $0x4  }
0x49: {  	v31 =	vshll.u32 v3, $0x2  }
0x4a: {  	v3 =	vand.u32 $0x7, v3;
	v4 =	vand.u32 $0xFFFFFFE0, v31  }
0x4b: {  	v3 =	vor.u32 v3, v4  }
0x4c: {  	v4 =	vperm.xlane v3, v0;
	_ =	sdelay $0x1  }
0x4d: {  	v4 =	vadd.s32 v1, v4;
	_ =	sdelay $0x1  }
0x4e: {  	v3 =	vperm.xlane v3, v2;
	_ =	sdelay $0x1  }
0x4f: {  	v3 =	vadd.s32 v1, v3  }
0x50: {  	[tilespmem:s20], [sflag:$0x1] =	stream.indirect_vreg.gather [hbm4b:s3+s2], $0x80, v4, vm0, $0xb8;
	[tilespmem:$0x18280] =	vst v63  }
0x51: {  	_ = 	snop  }
0x52: {  	[tilespmem:s21], [sflag:$0x1] =	stream.indirect_vreg.gather [hbm4b:s4+s2], $0x80, v4, vm0, $0xb8;
	[tilespmem:$0x18280] =	vst v63  }
0x53: {  	_ = 	snop  }
0x54: {  	[tilespmem:s22], [sflag:$0x1] =	stream.indirect_vreg.gather [hbm4b:s3+s2], $0x80, v3, vm0, $0xb8;
	[tilespmem:$0x18280] =	vst v63  }
0x55: {  	_ = 	snop  }
0x56: {  	[tilespmem:s23], [sflag:$0x1] =	stream.indirect_vreg.gather [hbm4b:s4+s2], $0x80, v3, vm0, $0xb8;
	[tilespmem:$0x18280] =	vst v63  }
0x57: {  	v3 =	vld [tilespmem:$0x40];
	_ =	sdelay $0x4  }
0x58: {  	v32 =	vshll.u32 v3, $0x2  }
0x59: {  	v3 =	vand.u32 $0x7, v3;
	v4 =	vand.u32 $0xFFFFFFE0, v32  }
0x5a: {  	v3 =	vor.u32 v3, v4  }
0x5b: {  	v4 =	vperm.xlane v3, v0;
	_ =	sdelay $0x1  }
0x5c: {  	v4 =	vadd.s32 v1, v4;
	_ =	sdelay $0x1  }
0x5d: {  	v3 =	vperm.xlane v3, v2;
	_ =	sdelay $0x1  }
0x5e: {  	v3 =	vadd.s32 v1, v3  }
0x5f: {  	[tilespmem:s24], [sflag:$0x1] =	stream.indirect_vreg.gather [hbm4b:s3+s2], $0x80, v4, vm0, $0xb8;
	[tilespmem:$0x18280] =	vst v63  }
0x60: {  	_ = 	snop  }
0x61: {  	[tilespmem:s25], [sflag:$0x1] =	stream.indirect_vreg.gather [hbm4b:s4+s2], $0x80, v4, vm0, $0xb8;
	[tilespmem:$0x18280] =	vst v63  }
0x62: {  	_ = 	snop  }
0x63: {  	[tilespmem:s26], [sflag:$0x1] =	stream.indirect_vreg.gather [hbm4b:s3+s2], $0x80, v3, vm0, $0xb8;
	[tilespmem:$0x18280] =	vst v63  }
0x64: {  	_ = 	snop  }
0x65: {  	[tilespmem:s28], [sflag:$0x1] =	stream.indirect_vreg.gather [hbm4b:s4+s2], $0x80, v3, vm0, $0xb8;
	[tilespmem:$0x18280] =	vst v63  }
0x66: {  	v3 =	vld [tilespmem:$0x50];
	_ =	sdelay $0x4  }
0x67: {  	v33 =	vshll.u32 v3, $0x2  }
0x68: {  	v3 =	vand.u32 $0x7, v3;
	v4 =	vand.u32 $0xFFFFFFE0, v33  }
0x69: {  	v3 =	vor.u32 v3, v4  }
0x6a: {  	v4 =	vperm.xlane v3, v0;
	_ =	sdelay $0x1  }
0x6b: {  	v4 =	vadd.s32 v1, v4;
	_ =	sdelay $0x1  }
0x6c: {  	v3 =	vperm.xlane v3, v2;
	_ =	sdelay $0x1  }
0x6d: {  	v3 =	vadd.s32 v1, v3  }
0x6e: {  	[tilespmem:s29], [sflag:$0x1] =	stream.indirect_vreg.gather [hbm4b:s3+s2], $0x80, v4, vm0, $0xb8;
	[tilespmem:$0x18280] =	vst v63  }
0x6f: {  	s1 =	simm.s32 $0xAA80  }
0x70: {  	[tilespmem:s1], [sflag:$0x1] =	stream.indirect_vreg.gather [hbm4b:s4+s2], $0x80, v4, vm0, $0xb8;
	[tilespmem:$0x18280] =	vst v63  }
0x71: {  	s8 =	simm.s32 $0xB280  }
0x72: {  	[tilespmem:s8], [sflag:$0x1] =	stream.indirect_vreg.gather [hbm4b:s3+s2], $0x80, v3, vm0, $0xb8;
	[tilespmem:$0x18280] =	vst v63  }
0x73: {  	s8 =	simm.s32 $0xBA80  }
0x74: {  	[tilespmem:s8], [sflag:$0x1] =	stream.indirect_vreg.gather [hbm4b:s4+s2], $0x80, v3, vm0, $0xb8;
	[tilespmem:$0x18280] =	vst v63  }
0x75: {  	v3 =	vld [tilespmem:$0x60];
	_ =	sdelay $0x4  }
0x76: {  	v34 =	vshll.u32 v3, $0x2  }
0x77: {  	v3 =	vand.u32 $0x7, v3;
	v4 =	vand.u32 $0xFFFFFFE0, v34  }
0x78: {  	v3 =	vor.u32 v3, v4  }
0x79: {  	v4 =	vperm.xlane v3, v0;
	_ =	sdelay $0x1  }
0x7a: {  	v4 =	vadd.s32 v1, v4;
	_ =	sdelay $0x1  }
0x7b: {  	v3 =	vperm.xlane v3, v2;
	_ =	sdelay $0x1  }
0x7c: {  	s1 =	simm.s32 $0xC280;
	v3 =	vadd.s32 v1, v3  }
0x7d: {  	[tilespmem:s1], [sflag:$0x2] =	stream.indirect_vreg.gather [hbm4b:s3+s2], $0x80, v4, vm0, $0xb8;
	[tilespmem:$0x18280] =	vst v63  }
0x7e: {  	s8 =	simm.s32 $0xCA80  }
0x7f: {  	[tilespmem:s8], [sflag:$0x2] =	stream.indirect_vreg.gather [hbm4b:s4+s2], $0x80, v4, vm0, $0xb8;
	[tilespmem:$0x18280] =	vst v63  }
0x80: {  	s8 =	simm.s32 $0xD280  }
0x81: {  	[tilespmem:s8], [sflag:$0x2] =	stream.indirect_vreg.gather [hbm4b:s3+s2], $0x80, v3, vm0, $0xb8;
	[tilespmem:$0x18280] =	vst v63  }
0x82: {  	s8 =	simm.s32 $0xDA80  }
0x83: {  	[tilespmem:s8], [sflag:$0x2] =	stream.indirect_vreg.gather [hbm4b:s4+s2], $0x80, v3, vm0, $0xb8;
	[tilespmem:$0x18280] =	vst v63  }
0x84: {  	v3 =	vld [tilespmem:$0x70];
	_ =	sdelay $0x4  }
0x85: {  	v35 =	vshll.u32 v3, $0x2  }
0x86: {  	v3 =	vand.u32 $0x7, v3;
	v4 =	vand.u32 $0xFFFFFFE0, v35  }
0x87: {  	v3 =	vor.u32 v3, v4  }
0x88: {  	v4 =	vperm.xlane v3, v0;
	_ =	sdelay $0x1  }
0x89: {  	v4 =	vadd.s32 v1, v4;
	_ =	sdelay $0x1  }
0x8a: {  	v3 =	vperm.xlane v3, v2;
	_ =	sdelay $0x1  }
0x8b: {  	s8 =	simm.s32 $0xE280;
	v3 =	vadd.s32 v1, v3  }
0x8c: {  	[tilespmem:s8], [sflag:$0x2] =	stream.indirect_vreg.gather [hbm4b:s3+s2], $0x80, v4, vm0, $0xb8;
	[tilespmem:$0x18280] =	vst v63  }
0x8d: {  	s8 =	simm.s32 $0xEA80  }
0x8e: {  	[tilespmem:s8], [sflag:$0x2] =	stream.indirect_vreg.gather [hbm4b:s4+s2], $0x80, v4, vm0, $0xb8;
	[tilespmem:$0x18280] =	vst v63  }
0x8f: {  	s8 =	simm.s32 $0xF280  }
0x90: {  	[tilespmem:s8], [sflag:$0x2] =	stream.indirect_vreg.gather [hbm4b:s3+s2], $0x80, v3, vm0, $0xb8;
	[tilespmem:$0x18280] =	vst v63  }
0x91: {  	s8 =	simm.s32 $0xFA80  }
0x92: {  	[tilespmem:s8], [sflag:$0x2] =	stream.indirect_vreg.gather [hbm4b:s4+s2], $0x80, v3, vm0, $0xb8;
	[tilespmem:$0x18280] =	vst v63  }
0x93: {  	v3 =	vld [tilespmem:$0x80];
	_ =	sdelay $0x4  }
0x94: {  	v36 =	vshll.u32 v3, $0x2  }
0x95: {  	v3 =	vand.u32 $0x7, v3;
	v4 =	vand.u32 $0xFFFFFFE0, v36  }
0x96: {  	v3 =	vor.u32 v3, v4  }
0x97: {  	v4 =	vperm.xlane v3, v0;
	_ =	sdelay $0x1  }
0x98: {  	v4 =	vadd.s32 v1, v4;
	_ =	sdelay $0x1  }
0x99: {  	v3 =	vperm.xlane v3, v2;
	_ =	sdelay $0x1  }
0x9a: {  	s8 =	simm.s32 $0x10280;
	v3 =	vadd.s32 v1, v3  }
0x9b: {  	[tilespmem:s8], [sflag:$0x2] =	stream.indirect_vreg.gather [hbm4b:s3+s2], $0x80, v4, vm0, $0xb8;
	[tilespmem:$0x18280] =	vst v63  }
0x9c: {  	s8 =	simm.s32 $0x10A80  }
0x9d: {  	[tilespmem:s8], [sflag:$0x2] =	stream.indirect_vreg.gather [hbm4b:s4+s2], $0x80, v4, vm0, $0xb8;
	[tilespmem:$0x18280] =	vst v63  }
0x9e: {  	s8 =	simm.s32 $0x11280  }
0x9f: {  	[tilespmem:s8], [sflag:$0x2] =	stream.indirect_vreg.gather [hbm4b:s3+s2], $0x80, v3, vm0, $0xb8;
	[tilespmem:$0x18280] =	vst v63  }
0xa0: {  	s8 =	simm.s32 $0x11A80  }
0xa1: {  	[tilespmem:s8], [sflag:$0x2] =	stream.indirect_vreg.gather [hbm4b:s4+s2], $0x80, v3, vm0, $0xb8;
	[tilespmem:$0x18280] =	vst v63  }
0xa2: {  	v3 =	vld [tilespmem:$0x90];
	_ =	sdelay $0x4  }
0xa3: {  	v37 =	vshll.u32 v3, $0x2  }
0xa4: {  	v3 =	vand.u32 $0x7, v3;
	v4 =	vand.u32 $0xFFFFFFE0, v37  }
0xa5: {  	v3 =	vor.u32 v3, v4  }
0xa6: {  	v4 =	vperm.xlane v3, v0;
	_ =	sdelay $0x1  }
0xa7: {  	v4 =	vadd.s32 v1, v4;
	_ =	sdelay $0x1  }
0xa8: {  	v3 =	vperm.xlane v3, v2;
	_ =	sdelay $0x1  }
0xa9: {  	s8 =	simm.s32 $0x12280;
	v3 =	vadd.s32 v1, v3  }
0xaa: {  	[tilespmem:s8], [sflag:$0x2] =	stream.indirect_vreg.gather [hbm4b:s3+s2], $0x80, v4, vm0, $0xb8;
	[tilespmem:$0x18280] =	vst v63  }
0xab: {  	s8 =	simm.s32 $0x12A80  }
0xac: {  	[tilespmem:s8], [sflag:$0x2] =	stream.indirect_vreg.gather [hbm4b:s4+s2], $0x80, v4, vm0, $0xb8;
	[tilespmem:$0x18280] =	vst v63  }
0xad: {  	s8 =	simm.s32 $0x13280  }
0xae: {  	[tilespmem:s8], [sflag:$0x2] =	stream.indirect_vreg.gather [hbm4b:s3+s2], $0x80, v3, vm0, $0xb8;
	[tilespmem:$0x18280] =	vst v63  }
0xaf: {  	s8 =	simm.s32 $0x13A80  }
0xb0: {  	[tilespmem:s8], [sflag:$0x2] =	stream.indirect_vreg.gather [hbm4b:s4+s2], $0x80, v3, vm0, $0xb8;
	[tilespmem:$0x18280] =	vst v63  }
0xb1: {  	v3 =	vld [tilespmem:$0xA0];
	_ =	sdelay $0x4  }
0xb2: {  	v38 =	vshll.u32 v3, $0x2  }
0xb3: {  	v3 =	vand.u32 $0x7, v3;
	v4 =	vand.u32 $0xFFFFFFE0, v38  }
0xb4: {  	v3 =	vor.u32 v3, v4  }
0xb5: {  	v4 =	vperm.xlane v3, v0;
	_ =	sdelay $0x1  }
0xb6: {  	v4 =	vadd.s32 v1, v4;
	_ =	sdelay $0x1  }
0xb7: {  	v3 =	vperm.xlane v3, v2;
	_ =	sdelay $0x1  }
0xb8: {  	s8 =	simm.s32 $0x14280;
	v3 =	vadd.s32 v1, v3  }
0xb9: {  	[tilespmem:s8], [sflag:$0x2] =	stream.indirect_vreg.gather [hbm4b:s3+s2], $0x80, v4, vm0, $0xb8;
	[tilespmem:$0x18280] =	vst v63  }
0xba: {  	s8 =	simm.s32 $0x14A80  }
0xbb: {  	[tilespmem:s8], [sflag:$0x2] =	stream.indirect_vreg.gather [hbm4b:s4+s2], $0x80, v4, vm0, $0xb8;
	[tilespmem:$0x18280] =	vst v63  }
0xbc: {  	s8 =	simm.s32 $0x15280  }
0xbd: {  	[tilespmem:s8], [sflag:$0x2] =	stream.indirect_vreg.gather [hbm4b:s3+s2], $0x80, v3, vm0, $0xb8;
	[tilespmem:$0x18280] =	vst v63  }
0xbe: {  	s8 =	simm.s32 $0x15A80  }
0xbf: {  	[tilespmem:s8], [sflag:$0x2] =	stream.indirect_vreg.gather [hbm4b:s4+s2], $0x80, v3, vm0, $0xb8;
	[tilespmem:$0x18280] =	vst v63  }
0xc0: {  	v3 =	vld [tilespmem:$0xB0];
	_ =	sdelay $0x4  }
0xc1: {  	v39 =	vshll.u32 v3, $0x2  }
0xc2: {  	v3 =	vand.u32 $0x7, v3;
	v4 =	vand.u32 $0xFFFFFFE0, v39  }
0xc3: {  	v3 =	vor.u32 v3, v4  }
0xc4: {  	v4 =	vperm.xlane v3, v0;
	_ =	sdelay $0x1  }
0xc5: {  	v4 =	vadd.s32 v1, v4;
	_ =	sdelay $0x1  }
0xc6: {  	v3 =	vperm.xlane v3, v2;
	_ =	sdelay $0x1  }
0xc7: {  	s8 =	simm.s32 $0x16280;
	v3 =	vadd.s32 v1, v3  }
0xc8: {  	[tilespmem:s8], [sflag:$0x2] =	stream.indirect_vreg.gather [hbm4b:s3+s2], $0x80, v4, vm0, $0xb8;
	[tilespmem:$0x18280] =	vst v63  }
0xc9: {  	s8 =	simm.s32 $0x16A80  }
0xca: {  	[tilespmem:s8], [sflag:$0x2] =	stream.indirect_vreg.gather [hbm4b:s4+s2], $0x80, v4, vm0, $0xb8;
	[tilespmem:$0x18280] =	vst v63  }
0xcb: {  	s8 =	simm.s32 $0x17280  }
0xcc: {  	[tilespmem:s8], [sflag:$0x2] =	stream.indirect_vreg.gather [hbm4b:s3+s2], $0x80, v3, vm0, $0xb8;
	[tilespmem:$0x18280] =	vst v63  }
0xcd: {  	s8 =	simm.s32 $0x17A80  }
0xce: {  	[tilespmem:s8], [sflag:$0x2] =	stream.indirect_vreg.gather [hbm4b:s4+s2], $0x80, v3, vm0, $0xb8;
	[tilespmem:$0x18280] =	vst v63  }
0xcf: {  	_ =	swait.ge [sflag:s30], $0xC000  }
0xd0: {  	[sflag:s30] =	ssyncset.done $0x0  }
0xd1: {  	s8 =	rddreg [dreg:$0x3];
	[sflag:s30] =	ssyncadd.s32 $0xFFFF4000  }
0xd2: {  	[hbm4b:s8+s2] =	stream.linear.scatter [tilespmem:s7], [sflag:$0x3], $0xC000, $0x38;
	[tilespmem:$0x18280] =	vst v63  }
0xd3: {  	_ =	swait.ge [sflag:s31], $0xC000  }
0xd4: {  	[sflag:s31] =	ssyncset.done $0x0  }
0xd5: {  	[sflag:s31] =	ssyncadd.s32 $0xFFFF4000  }
0xd6: {  	v3 =	vld [tilespmem:$0xC0];
	_ =	sdelay $0x4  }
0xd7: {  	v40 =	vshll.u32 v3, $0x2  }
0xd8: {  	v3 =	vand.u32 $0x7, v3;
	v4 =	vand.u32 $0xFFFFFFE0, v40  }
0xd9: {  	v3 =	vor.u32 v3, v4  }
0xda: {  	v4 =	vperm.xlane v3, v0;
	_ =	sdelay $0x1  }
0xdb: {  	v4 =	vadd.s32 v1, v4;
	_ =	sdelay $0x1  }
0xdc: {  	v3 =	vperm.xlane v3, v2;
	_ =	sdelay $0x1  }
0xdd: {  	v3 =	vadd.s32 v1, v3  }
0xde: {  	[tilespmem:s7], [sflag:$0x1] =	stream.indirect_vreg.gather [hbm4b:s3+s2], $0x80, v4, vm0, $0xb8;
	[tilespmem:$0x18280] =	vst v63  }
0xdf: {  	_ = 	snop  }
0xe0: {  	[tilespmem:s9], [sflag:$0x1] =	stream.indirect_vreg.gather [hbm4b:s4+s2], $0x80, v4, vm0, $0xb8;
	[tilespmem:$0x18280] =	vst v63  }
0xe1: {  	_ = 	snop  }
0xe2: {  	[tilespmem:s10], [sflag:$0x1] =	stream.indirect_vreg.gather [hbm4b:s3+s2], $0x80, v3, vm0, $0xb8;
	[tilespmem:$0x18280] =	vst v63  }
0xe3: {  	_ = 	snop  }
0xe4: {  	[tilespmem:s11], [sflag:$0x1] =	stream.indirect_vreg.gather [hbm4b:s4+s2], $0x80, v3, vm0, $0xb8;
	[tilespmem:$0x18280] =	vst v63  }
0xe5: {  	v3 =	vld [tilespmem:$0xD0];
	_ =	sdelay $0x4  }
0xe6: {  	v41 =	vshll.u32 v3, $0x2  }
0xe7: {  	v3 =	vand.u32 $0x7, v3;
	v4 =	vand.u32 $0xFFFFFFE0, v41  }
0xe8: {  	v3 =	vor.u32 v3, v4  }
0xe9: {  	v4 =	vperm.xlane v3, v0;
	_ =	sdelay $0x1  }
0xea: {  	v4 =	vadd.s32 v1, v4;
	_ =	sdelay $0x1  }
0xeb: {  	v3 =	vperm.xlane v3, v2;
	_ =	sdelay $0x1  }
0xec: {  	v3 =	vadd.s32 v1, v3  }
0xed: {  	[tilespmem:s12], [sflag:$0x1] =	stream.indirect_vreg.gather [hbm4b:s3+s2], $0x80, v4, vm0, $0xb8;
	[tilespmem:$0x18280] =	vst v63  }
0xee: {  	_ = 	snop  }
0xef: {  	[tilespmem:s13], [sflag:$0x1] =	stream.indirect_vreg.gather [hbm4b:s4+s2], $0x80, v4, vm0, $0xb8;
	[tilespmem:$0x18280] =	vst v63  }
0xf0: {  	_ = 	snop  }
0xf1: {  	[tilespmem:s14], [sflag:$0x1] =	stream.indirect_vreg.gather [hbm4b:s3+s2], $0x80, v3, vm0, $0xb8;
	[tilespmem:$0x18280] =	vst v63  }
0xf2: {  	_ = 	snop  }
0xf3: {  	[tilespmem:s15], [sflag:$0x1] =	stream.indirect_vreg.gather [hbm4b:s4+s2], $0x80, v3, vm0, $0xb8;
	[tilespmem:$0x18280] =	vst v63  }
0xf4: {  	v3 =	vld [tilespmem:$0xE0];
	_ =	sdelay $0x4  }
0xf5: {  	v42 =	vshll.u32 v3, $0x2  }
0xf6: {  	v3 =	vand.u32 $0x7, v3;
	v4 =	vand.u32 $0xFFFFFFE0, v42  }
0xf7: {  	v3 =	vor.u32 v3, v4  }
0xf8: {  	v4 =	vperm.xlane v3, v0;
	_ =	sdelay $0x1  }
0xf9: {  	v4 =	vadd.s32 v1, v4;
	_ =	sdelay $0x1  }
0xfa: {  	v3 =	vperm.xlane v3, v2;
	_ =	sdelay $0x1  }
0xfb: {  	v3 =	vadd.s32 v1, v3  }
0xfc: {  	[tilespmem:s16], [sflag:$0x1] =	stream.indirect_vreg.gather [hbm4b:s3+s2], $0x80, v4, vm0, $0xb8;
	[tilespmem:$0x18280] =	vst v63  }
0xfd: {  	_ = 	snop  }
0xfe: {  	[tilespmem:s17], [sflag:$0x1] =	stream.indirect_vreg.gather [hbm4b:s4+s2], $0x80, v4, vm0, $0xb8;
	[tilespmem:$0x18280] =	vst v63  }
0xff: {  	_ = 	snop  }
0x100: {  	[tilespmem:s18], [sflag:$0x1] =	stream.indirect_vreg.gather [hbm4b:s3+s2], $0x80, v3, vm0, $0xb8;
	[tilespmem:$0x18280] =	vst v63  }
0x101: {  	_ = 	snop  }
0x102: {  	[tilespmem:s19], [sflag:$0x1] =	stream.indirect_vreg.gather [hbm4b:s4+s2], $0x80, v3, vm0, $0xb8;
	[tilespmem:$0x18280] =	vst v63  }
0x103: {  	v3 =	vld [tilespmem:$0xF0];
	_ =	sdelay $0x4  }
0x104: {  	v43 =	vshll.u32 v3, $0x2  }
0x105: {  	v3 =	vand.u32 $0x7, v3;
	v4 =	vand.u32 $0xFFFFFFE0, v43  }
0x106: {  	v3 =	vor.u32 v3, v4  }
0x107: {  	v4 =	vperm.xlane v3, v0;
	_ =	sdelay $0x1  }
0x108: {  	v4 =	vadd.s32 v1, v4;
	_ =	sdelay $0x1  }
0x109: {  	v3 =	vperm.xlane v3, v2;
	_ =	sdelay $0x1  }
0x10a: {  	v3 =	vadd.s32 v1, v3  }
0x10b: {  	[tilespmem:s20], [sflag:$0x1] =	stream.indirect_vreg.gather [hbm4b:s3+s2], $0x80, v4, vm0, $0xb8;
	[tilespmem:$0x18280] =	vst v63  }
0x10c: {  	_ = 	snop  }
0x10d: {  	[tilespmem:s21], [sflag:$0x1] =	stream.indirect_vreg.gather [hbm4b:s4+s2], $0x80, v4, vm0, $0xb8;
	[tilespmem:$0x18280] =	vst v63  }
0x10e: {  	_ = 	snop  }
0x10f: {  	[tilespmem:s22], [sflag:$0x1] =	stream.indirect_vreg.gather [hbm4b:s3+s2], $0x80, v3, vm0, $0xb8;
	[tilespmem:$0x18280] =	vst v63  }
0x110: {  	_ = 	snop  }
0x111: {  	[tilespmem:s23], [sflag:$0x1] =	stream.indirect_vreg.gather [hbm4b:s4+s2], $0x80, v3, vm0, $0xb8;
	[tilespmem:$0x18280] =	vst v63  }
0x112: {  	v3 =	vld [tilespmem:$0x100];
	_ =	sdelay $0x4  }
0x113: {  	v44 =	vshll.u32 v3, $0x2  }
0x114: {  	v3 =	vand.u32 $0x7, v3;
	v4 =	vand.u32 $0xFFFFFFE0, v44  }
0x115: {  	v3 =	vor.u32 v3, v4  }
0x116: {  	v4 =	vperm.xlane v3, v0;
	_ =	sdelay $0x1  }
0x117: {  	v4 =	vadd.s32 v1, v4;
	_ =	sdelay $0x1  }
0x118: {  	v3 =	vperm.xlane v3, v2;
	_ =	sdelay $0x1  }
0x119: {  	v3 =	vadd.s32 v1, v3  }
0x11a: {  	[tilespmem:s24], [sflag:$0x1] =	stream.indirect_vreg.gather [hbm4b:s3+s2], $0x80, v4, vm0, $0xb8;
	[tilespmem:$0x18280] =	vst v63  }
0x11b: {  	_ = 	snop  }
0x11c: {  	[tilespmem:s25], [sflag:$0x1] =	stream.indirect_vreg.gather [hbm4b:s4+s2], $0x80, v4, vm0, $0xb8;
	[tilespmem:$0x18280] =	vst v63  }
0x11d: {  	_ = 	snop  }
0x11e: {  	[tilespmem:s26], [sflag:$0x1] =	stream.indirect_vreg.gather [hbm4b:s3+s2], $0x80, v3, vm0, $0xb8;
	[tilespmem:$0x18280] =	vst v63  }
0x11f: {  	_ = 	snop  }
0x120: {  	[tilespmem:s28], [sflag:$0x1] =	stream.indirect_vreg.gather [hbm4b:s4+s2], $0x80, v3, vm0, $0xb8;
	[tilespmem:$0x18280] =	vst v63  }
0x121: {  	v3 =	vld [tilespmem:$0x110];
	_ =	sdelay $0x4  }
0x122: {  	v45 =	vshll.u32 v3, $0x2  }
0x123: {  	v3 =	vand.u32 $0x7, v3;
	v4 =	vand.u32 $0xFFFFFFE0, v45  }
0x124: {  	v3 =	vor.u32 v3, v4  }
0x125: {  	v4 =	vperm.xlane v3, v0;
	_ =	sdelay $0x1  }
0x126: {  	v4 =	vadd.s32 v1, v4;
	_ =	sdelay $0x1  }
0x127: {  	v3 =	vperm.xlane v3, v2;
	_ =	sdelay $0x1  }
0x128: {  	v3 =	vadd.s32 v1, v3  }
0x129: {  	[tilespmem:s29], [sflag:$0x1] =	stream.indirect_vreg.gather [hbm4b:s3+s2], $0x80, v4, vm0, $0xb8;
	[tilespmem:$0x18280] =	vst v63  }
0x12a: {  	s8 =	simm.s32 $0xAA80  }
0x12b: {  	[tilespmem:s8], [sflag:$0x1] =	stream.indirect_vreg.gather [hbm4b:s4+s2], $0x80, v4, vm0, $0xb8;
	[tilespmem:$0x18280] =	vst v63  }
0x12c: {  	s8 =	simm.s32 $0xB280  }
0x12d: {  	[tilespmem:s8], [sflag:$0x1] =	stream.indirect_vreg.gather [hbm4b:s3+s2], $0x80, v3, vm0, $0xb8;
	[tilespmem:$0x18280] =	vst v63  }
0x12e: {  	s8 =	simm.s32 $0xBA80  }
0x12f: {  	[tilespmem:s8], [sflag:$0x1] =	stream.indirect_vreg.gather [hbm4b:s4+s2], $0x80, v3, vm0, $0xb8;
	[tilespmem:$0x18280] =	vst v63  }
0x130: {  	_ =	swait.ge [sflag:s0], $0xC000  }
0x131: {  	[sflag:s0] =	ssyncset.done $0x0  }
0x132: {  	s8 =	rddreg [dreg:$0x4];
	[sflag:s0] =	ssyncadd.s32 $0xFFFF4000  }
0x133: {  	[hbm4b:s8+s2] =	stream.linear.scatter [tilespmem:s1], [sflag:$0x4], $0xC000, $0x38;
	[tilespmem:$0x18280] =	vst v63  }
0x134: {  	_ =	swait.ge [sflag:s6], $0xC000  }
0x135: {  	[sflag:s6] =	ssyncset.done $0x0  }
0x136: {  	[sflag:s6] =	ssyncadd.s32 $0xFFFF4000  }
0x137: {  	v3 =	vld [tilespmem:$0x120];
	_ =	sdelay $0x4  }
0x138: {  	v46 =	vshll.u32 v3, $0x2  }
0x139: {  	v3 =	vand.u32 $0x7, v3;
	v4 =	vand.u32 $0xFFFFFFE0, v46  }
0x13a: {  	v3 =	vor.u32 v3, v4  }
0x13b: {  	v4 =	vperm.xlane v3, v0;
	_ =	sdelay $0x1  }
0x13c: {  	v4 =	vadd.s32 v1, v4;
	_ =	sdelay $0x1  }
0x13d: {  	v3 =	vperm.xlane v3, v2;
	_ =	sdelay $0x1  }
0x13e: {  	v3 =	vadd.s32 v1, v3  }
0x13f: {  	[tilespmem:s1], [sflag:$0x2] =	stream.indirect_vreg.gather [hbm4b:s3+s2], $0x80, v4, vm0, $0xb8;
	[tilespmem:$0x18280] =	vst v63  }
0x140: {  	s8 =	simm.s32 $0xCA80  }
0x141: {  	[tilespmem:s8], [sflag:$0x2] =	stream.indirect_vreg.gather [hbm4b:s4+s2], $0x80, v4, vm0, $0xb8;
	[tilespmem:$0x18280] =	vst v63  }
0x142: {  	s8 =	simm.s32 $0xD280  }
0x143: {  	[tilespmem:s8], [sflag:$0x2] =	stream.indirect_vreg.gather [hbm4b:s3+s2], $0x80, v3, vm0, $0xb8;
	[tilespmem:$0x18280] =	vst v63  }
0x144: {  	s8 =	simm.s32 $0xDA80  }
0x145: {  	[tilespmem:s8], [sflag:$0x2] =	stream.indirect_vreg.gather [hbm4b:s4+s2], $0x80, v3, vm0, $0xb8;
	[tilespmem:$0x18280] =	vst v63  }
0x146: {  	v3 =	vld [tilespmem:$0x130];
	_ =	sdelay $0x4  }
0x147: {  	v47 =	vshll.u32 v3, $0x2  }
0x148: {  	v3 =	vand.u32 $0x7, v3;
	v4 =	vand.u32 $0xFFFFFFE0, v47  }
0x149: {  	v3 =	vor.u32 v3, v4  }
0x14a: {  	v4 =	vperm.xlane v3, v0;
	_ =	sdelay $0x1  }
0x14b: {  	v4 =	vadd.s32 v1, v4;
	_ =	sdelay $0x1  }
0x14c: {  	v3 =	vperm.xlane v3, v2;
	_ =	sdelay $0x1  }
0x14d: {  	s8 =	simm.s32 $0xE280;
	v3 =	vadd.s32 v1, v3  }
0x14e: {  	[tilespmem:s8], [sflag:$0x2] =	stream.indirect_vreg.gather [hbm4b:s3+s2], $0x80, v4, vm0, $0xb8;
	[tilespmem:$0x18280] =	vst v63  }
0x14f: {  	s8 =	simm.s32 $0xEA80  }
0x150: {  	[tilespmem:s8], [sflag:$0x2] =	stream.indirect_vreg.gather [hbm4b:s4+s2], $0x80, v4, vm0, $0xb8;
	[tilespmem:$0x18280] =	vst v63  }
0x151: {  	s8 =	simm.s32 $0xF280  }
0x152: {  	[tilespmem:s8], [sflag:$0x2] =	stream.indirect_vreg.gather [hbm4b:s3+s2], $0x80, v3, vm0, $0xb8;
	[tilespmem:$0x18280] =	vst v63  }
0x153: {  	s8 =	simm.s32 $0xFA80  }
0x154: {  	[tilespmem:s8], [sflag:$0x2] =	stream.indirect_vreg.gather [hbm4b:s4+s2], $0x80, v3, vm0, $0xb8;
	[tilespmem:$0x18280] =	vst v63  }
0x155: {  	v3 =	vld [tilespmem:$0x140];
	_ =	sdelay $0x4  }
0x156: {  	v48 =	vshll.u32 v3, $0x2  }
0x157: {  	v3 =	vand.u32 $0x7, v3;
	v4 =	vand.u32 $0xFFFFFFE0, v48  }
0x158: {  	v3 =	vor.u32 v3, v4  }
0x159: {  	v4 =	vperm.xlane v3, v0;
	_ =	sdelay $0x1  }
0x15a: {  	v4 =	vadd.s32 v1, v4;
	_ =	sdelay $0x1  }
0x15b: {  	v3 =	vperm.xlane v3, v2;
	_ =	sdelay $0x1  }
0x15c: {  	s8 =	simm.s32 $0x10280;
	v3 =	vadd.s32 v1, v3  }
0x15d: {  	[tilespmem:s8], [sflag:$0x2] =	stream.indirect_vreg.gather [hbm4b:s3+s2], $0x80, v4, vm0, $0xb8;
	[tilespmem:$0x18280] =	vst v63  }
0x15e: {  	s8 =	simm.s32 $0x10A80  }
0x15f: {  	[tilespmem:s8], [sflag:$0x2] =	stream.indirect_vreg.gather [hbm4b:s4+s2], $0x80, v4, vm0, $0xb8;
	[tilespmem:$0x18280] =	vst v63  }
0x160: {  	s8 =	simm.s32 $0x11280  }
0x161: {  	[tilespmem:s8], [sflag:$0x2] =	stream.indirect_vreg.gather [hbm4b:s3+s2], $0x80, v3, vm0, $0xb8;
	[tilespmem:$0x18280] =	vst v63  }
0x162: {  	s8 =	simm.s32 $0x11A80  }
0x163: {  	[tilespmem:s8], [sflag:$0x2] =	stream.indirect_vreg.gather [hbm4b:s4+s2], $0x80, v3, vm0, $0xb8;
	[tilespmem:$0x18280] =	vst v63  }
0x164: {  	v3 =	vld [tilespmem:$0x150];
	_ =	sdelay $0x4  }
0x165: {  	v49 =	vshll.u32 v3, $0x2  }
0x166: {  	v3 =	vand.u32 $0x7, v3;
	v4 =	vand.u32 $0xFFFFFFE0, v49  }
0x167: {  	v3 =	vor.u32 v3, v4  }
0x168: {  	v4 =	vperm.xlane v3, v0;
	_ =	sdelay $0x1  }
0x169: {  	v4 =	vadd.s32 v1, v4;
	_ =	sdelay $0x1  }
0x16a: {  	v3 =	vperm.xlane v3, v2;
	_ =	sdelay $0x1  }
0x16b: {  	s8 =	simm.s32 $0x12280;
	v3 =	vadd.s32 v1, v3  }
0x16c: {  	[tilespmem:s8], [sflag:$0x2] =	stream.indirect_vreg.gather [hbm4b:s3+s2], $0x80, v4, vm0, $0xb8;
	[tilespmem:$0x18280] =	vst v63  }
0x16d: {  	s8 =	simm.s32 $0x12A80  }
0x16e: {  	[tilespmem:s8], [sflag:$0x2] =	stream.indirect_vreg.gather [hbm4b:s4+s2], $0x80, v4, vm0, $0xb8;
	[tilespmem:$0x18280] =	vst v63  }
0x16f: {  	s8 =	simm.s32 $0x13280  }
0x170: {  	[tilespmem:s8], [sflag:$0x2] =	stream.indirect_vreg.gather [hbm4b:s3+s2], $0x80, v3, vm0, $0xb8;
	[tilespmem:$0x18280] =	vst v63  }
0x171: {  	s8 =	simm.s32 $0x13A80  }
0x172: {  	[tilespmem:s8], [sflag:$0x2] =	stream.indirect_vreg.gather [hbm4b:s4+s2], $0x80, v3, vm0, $0xb8;
	[tilespmem:$0x18280] =	vst v63  }
0x173: {  	v3 =	vld [tilespmem:$0x160];
	_ =	sdelay $0x4  }
0x174: {  	v50 =	vshll.u32 v3, $0x2  }
0x175: {  	v3 =	vand.u32 $0x7, v3;
	v4 =	vand.u32 $0xFFFFFFE0, v50  }
0x176: {  	v3 =	vor.u32 v3, v4  }
0x177: {  	v4 =	vperm.xlane v3, v0;
	_ =	sdelay $0x1  }
0x178: {  	v4 =	vadd.s32 v1, v4;
	_ =	sdelay $0x1  }
0x179: {  	v3 =	vperm.xlane v3, v2;
	_ =	sdelay $0x1  }
0x17a: {  	s8 =	simm.s32 $0x14280;
	v3 =	vadd.s32 v1, v3  }
0x17b: {  	[tilespmem:s8], [sflag:$0x2] =	stream.indirect_vreg.gather [hbm4b:s3+s2], $0x80, v4, vm0, $0xb8;
	[tilespmem:$0x18280] =	vst v63  }
0x17c: {  	s8 =	simm.s32 $0x14A80  }
0x17d: {  	[tilespmem:s8], [sflag:$0x2] =	stream.indirect_vreg.gather [hbm4b:s4+s2], $0x80, v4, vm0, $0xb8;
	[tilespmem:$0x18280] =	vst v63  }
0x17e: {  	s8 =	simm.s32 $0x15280  }
0x17f: {  	[tilespmem:s8], [sflag:$0x2] =	stream.indirect_vreg.gather [hbm4b:s3+s2], $0x80, v3, vm0, $0xb8;
	[tilespmem:$0x18280] =	vst v63  }
0x180: {  	s8 =	simm.s32 $0x15A80  }
0x181: {  	[tilespmem:s8], [sflag:$0x2] =	stream.indirect_vreg.gather [hbm4b:s4+s2], $0x80, v3, vm0, $0xb8;
	[tilespmem:$0x18280] =	vst v63  }
0x182: {  	v3 =	vld [tilespmem:$0x170];
	_ =	sdelay $0x4  }
0x183: {  	v51 =	vshll.u32 v3, $0x2  }
0x184: {  	v3 =	vand.u32 $0x7, v3;
	v4 =	vand.u32 $0xFFFFFFE0, v51  }
0x185: {  	v3 =	vor.u32 v3, v4  }
0x186: {  	v4 =	vperm.xlane v3, v0;
	_ =	sdelay $0x1  }
0x187: {  	v4 =	vadd.s32 v1, v4;
	_ =	sdelay $0x1  }
0x188: {  	v3 =	vperm.xlane v3, v2;
	_ =	sdelay $0x1  }
0x189: {  	s8 =	simm.s32 $0x16280;
	v3 =	vadd.s32 v1, v3  }
0x18a: {  	[tilespmem:s8], [sflag:$0x2] =	stream.indirect_vreg.gather [hbm4b:s3+s2], $0x80, v4, vm0, $0xb8;
	[tilespmem:$0x18280] =	vst v63  }
0x18b: {  	s8 =	simm.s32 $0x16A80  }
0x18c: {  	[tilespmem:s8], [sflag:$0x2] =	stream.indirect_vreg.gather [hbm4b:s4+s2], $0x80, v4, vm0, $0xb8;
	[tilespmem:$0x18280] =	vst v63  }
0x18d: {  	s8 =	simm.s32 $0x17280  }
0x18e: {  	[tilespmem:s8], [sflag:$0x2] =	stream.indirect_vreg.gather [hbm4b:s3+s2], $0x80, v3, vm0, $0xb8;
	[tilespmem:$0x18280] =	vst v63  }
0x18f: {  	s8 =	simm.s32 $0x17A80  }
0x190: {  	[tilespmem:s8], [sflag:$0x2] =	stream.indirect_vreg.gather [hbm4b:s4+s2], $0x80, v3, vm0, $0xb8;
	[tilespmem:$0x18280] =	vst v63  }
0x191: {  	_ =	swait.ge [sflag:s30], $0xC000  }
0x192: {  	[sflag:s30] =	ssyncset.done $0x0  }
0x193: {  	s8 =	rddreg [dreg:$0x5];
	[sflag:s30] =	ssyncadd.s32 $0xFFFF4000  }
0x194: {  	[hbm4b:s8+s2] =	stream.linear.scatter [tilespmem:s7], [sflag:$0x3], $0xC000, $0x38;
	[tilespmem:$0x18280] =	vst v63  }
0x195: {  	_ =	swait.ge [sflag:s31], $0xC000  }
0x196: {  	[sflag:s31] =	ssyncset.done $0x0  }
0x197: {  	[sflag:s31] =	ssyncadd.s32 $0xFFFF4000  }
0x198: {  	v3 =	vld [tilespmem:$0x180];
	_ =	sdelay $0x4  }
0x199: {  	v52 =	vshll.u32 v3, $0x2  }
0x19a: {  	v3 =	vand.u32 $0x7, v3;
	v4 =	vand.u32 $0xFFFFFFE0, v52  }
0x19b: {  	v3 =	vor.u32 v3, v4  }
0x19c: {  	v4 =	vperm.xlane v3, v0;
	_ =	sdelay $0x1  }
0x19d: {  	v4 =	vadd.s32 v1, v4;
	_ =	sdelay $0x1  }
0x19e: {  	v3 =	vperm.xlane v3, v2;
	_ =	sdelay $0x1  }
0x19f: {  	v3 =	vadd.s32 v1, v3  }
0x1a0: {  	[tilespmem:s7], [sflag:$0x1] =	stream.indirect_vreg.gather [hbm4b:s3+s2], $0x80, v4, vm0, $0xb8;
	[tilespmem:$0x18280] =	vst v63  }
0x1a1: {  	_ = 	snop  }
0x1a2: {  	[tilespmem:s9], [sflag:$0x1] =	stream.indirect_vreg.gather [hbm4b:s4+s2], $0x80, v4, vm0, $0xb8;
	[tilespmem:$0x18280] =	vst v63  }
0x1a3: {  	_ = 	snop  }
0x1a4: {  	[tilespmem:s10], [sflag:$0x1] =	stream.indirect_vreg.gather [hbm4b:s3+s2], $0x80, v3, vm0, $0xb8;
	[tilespmem:$0x18280] =	vst v63  }
0x1a5: {  	_ = 	snop  }
0x1a6: {  	[tilespmem:s11], [sflag:$0x1] =	stream.indirect_vreg.gather [hbm4b:s4+s2], $0x80, v3, vm0, $0xb8;
	[tilespmem:$0x18280] =	vst v63  }
0x1a7: {  	v3 =	vld [tilespmem:$0x190];
	_ =	sdelay $0x4  }
0x1a8: {  	v53 =	vshll.u32 v3, $0x2  }
0x1a9: {  	v3 =	vand.u32 $0x7, v3;
	v4 =	vand.u32 $0xFFFFFFE0, v53  }
0x1aa: {  	v3 =	vor.u32 v3, v4  }
0x1ab: {  	v4 =	vperm.xlane v3, v0;
	_ =	sdelay $0x1  }
0x1ac: {  	v4 =	vadd.s32 v1, v4;
	_ =	sdelay $0x1  }
0x1ad: {  	v3 =	vperm.xlane v3, v2;
	_ =	sdelay $0x1  }
0x1ae: {  	v3 =	vadd.s32 v1, v3  }
0x1af: {  	[tilespmem:s12], [sflag:$0x1] =	stream.indirect_vreg.gather [hbm4b:s3+s2], $0x80, v4, vm0, $0xb8;
	[tilespmem:$0x18280] =	vst v63  }
0x1b0: {  	_ = 	snop  }
0x1b1: {  	[tilespmem:s13], [sflag:$0x1] =	stream.indirect_vreg.gather [hbm4b:s4+s2], $0x80, v4, vm0, $0xb8;
	[tilespmem:$0x18280] =	vst v63  }
0x1b2: {  	_ = 	snop  }
0x1b3: {  	[tilespmem:s14], [sflag:$0x1] =	stream.indirect_vreg.gather [hbm4b:s3+s2], $0x80, v3, vm0, $0xb8;
	[tilespmem:$0x18280] =	vst v63  }
0x1b4: {  	_ = 	snop  }
0x1b5: {  	[tilespmem:s15], [sflag:$0x1] =	stream.indirect_vreg.gather [hbm4b:s4+s2], $0x80, v3, vm0, $0xb8;
	[tilespmem:$0x18280] =	vst v63  }
0x1b6: {  	v3 =	vld [tilespmem:$0x1A0];
	_ =	sdelay $0x4  }
0x1b7: {  	v54 =	vshll.u32 v3, $0x2  }
0x1b8: {  	v3 =	vand.u32 $0x7, v3;
	v4 =	vand.u32 $0xFFFFFFE0, v54  }
0x1b9: {  	v3 =	vor.u32 v3, v4  }
0x1ba: {  	v4 =	vperm.xlane v3, v0;
	_ =	sdelay $0x1  }
0x1bb: {  	v4 =	vadd.s32 v1, v4;
	_ =	sdelay $0x1  }
0x1bc: {  	v3 =	vperm.xlane v3, v2;
	_ =	sdelay $0x1  }
0x1bd: {  	v3 =	vadd.s32 v1, v3  }
0x1be: {  	[tilespmem:s16], [sflag:$0x1] =	stream.indirect_vreg.gather [hbm4b:s3+s2], $0x80, v4, vm0, $0xb8;
	[tilespmem:$0x18280] =	vst v63  }
0x1bf: {  	_ = 	snop  }
0x1c0: {  	[tilespmem:s17], [sflag:$0x1] =	stream.indirect_vreg.gather [hbm4b:s4+s2], $0x80, v4, vm0, $0xb8;
	[tilespmem:$0x18280] =	vst v63  }
0x1c1: {  	_ = 	snop  }
0x1c2: {  	[tilespmem:s18], [sflag:$0x1] =	stream.indirect_vreg.gather [hbm4b:s3+s2], $0x80, v3, vm0, $0xb8;
	[tilespmem:$0x18280] =	vst v63  }
0x1c3: {  	_ = 	snop  }
0x1c4: {  	[tilespmem:s19], [sflag:$0x1] =	stream.indirect_vreg.gather [hbm4b:s4+s2], $0x80, v3, vm0, $0xb8;
	[tilespmem:$0x18280] =	vst v63  }
0x1c5: {  	v3 =	vld [tilespmem:$0x1B0];
	_ =	sdelay $0x4  }
0x1c6: {  	v55 =	vshll.u32 v3, $0x2  }
0x1c7: {  	v3 =	vand.u32 $0x7, v3;
	v4 =	vand.u32 $0xFFFFFFE0, v55  }
0x1c8: {  	v3 =	vor.u32 v3, v4  }
0x1c9: {  	v4 =	vperm.xlane v3, v0;
	_ =	sdelay $0x1  }
0x1ca: {  	v4 =	vadd.s32 v1, v4;
	_ =	sdelay $0x1  }
0x1cb: {  	v3 =	vperm.xlane v3, v2;
	_ =	sdelay $0x1  }
0x1cc: {  	v3 =	vadd.s32 v1, v3  }
0x1cd: {  	[tilespmem:s20], [sflag:$0x1] =	stream.indirect_vreg.gather [hbm4b:s3+s2], $0x80, v4, vm0, $0xb8;
	[tilespmem:$0x18280] =	vst v63  }
0x1ce: {  	_ = 	snop  }
0x1cf: {  	[tilespmem:s21], [sflag:$0x1] =	stream.indirect_vreg.gather [hbm4b:s4+s2], $0x80, v4, vm0, $0xb8;
	[tilespmem:$0x18280] =	vst v63  }
0x1d0: {  	_ = 	snop  }
0x1d1: {  	[tilespmem:s22], [sflag:$0x1] =	stream.indirect_vreg.gather [hbm4b:s3+s2], $0x80, v3, vm0, $0xb8;
	[tilespmem:$0x18280] =	vst v63  }
0x1d2: {  	_ = 	snop  }
0x1d3: {  	[tilespmem:s23], [sflag:$0x1] =	stream.indirect_vreg.gather [hbm4b:s4+s2], $0x80, v3, vm0, $0xb8;
	[tilespmem:$0x18280] =	vst v63  }
0x1d4: {  	v3 =	vld [tilespmem:$0x1C0];
	_ =	sdelay $0x4  }
0x1d5: {  	v56 =	vshll.u32 v3, $0x2  }
0x1d6: {  	v3 =	vand.u32 $0x7, v3;
	v4 =	vand.u32 $0xFFFFFFE0, v56  }
0x1d7: {  	v3 =	vor.u32 v3, v4  }
0x1d8: {  	v4 =	vperm.xlane v3, v0;
	_ =	sdelay $0x1  }
0x1d9: {  	v4 =	vadd.s32 v1, v4;
	_ =	sdelay $0x1  }
0x1da: {  	v3 =	vperm.xlane v3, v2;
	_ =	sdelay $0x1  }
0x1db: {  	v3 =	vadd.s32 v1, v3  }
0x1dc: {  	[tilespmem:s24], [sflag:$0x1] =	stream.indirect_vreg.gather [hbm4b:s3+s2], $0x80, v4, vm0, $0xb8;
	[tilespmem:$0x18280] =	vst v63  }
0x1dd: {  	_ = 	snop  }
0x1de: {  	[tilespmem:s25], [sflag:$0x1] =	stream.indirect_vreg.gather [hbm4b:s4+s2], $0x80, v4, vm0, $0xb8;
	[tilespmem:$0x18280] =	vst v63  }
0x1df: {  	_ = 	snop  }
0x1e0: {  	[tilespmem:s26], [sflag:$0x1] =	stream.indirect_vreg.gather [hbm4b:s3+s2], $0x80, v3, vm0, $0xb8;
	[tilespmem:$0x18280] =	vst v63  }
0x1e1: {  	_ = 	snop  }
0x1e2: {  	[tilespmem:s28], [sflag:$0x1] =	stream.indirect_vreg.gather [hbm4b:s4+s2], $0x80, v3, vm0, $0xb8;
	[tilespmem:$0x18280] =	vst v63  }
0x1e3: {  	v3 =	vld [tilespmem:$0x1D0];
	_ =	sdelay $0x4  }
0x1e4: {  	v57 =	vshll.u32 v3, $0x2  }
0x1e5: {  	v3 =	vand.u32 $0x7, v3;
	v4 =	vand.u32 $0xFFFFFFE0, v57  }
0x1e6: {  	v3 =	vor.u32 v3, v4  }
0x1e7: {  	v4 =	vperm.xlane v3, v0;
	_ =	sdelay $0x1  }
0x1e8: {  	v4 =	vadd.s32 v1, v4;
	_ =	sdelay $0x1  }
0x1e9: {  	v3 =	vperm.xlane v3, v2;
	_ =	sdelay $0x1  }
0x1ea: {  	v3 =	vadd.s32 v1, v3  }
0x1eb: {  	[tilespmem:s29], [sflag:$0x1] =	stream.indirect_vreg.gather [hbm4b:s3+s2], $0x80, v4, vm0, $0xb8;
	[tilespmem:$0x18280] =	vst v63  }
0x1ec: {  	s8 =	simm.s32 $0xAA80  }
0x1ed: {  	[tilespmem:s8], [sflag:$0x1] =	stream.indirect_vreg.gather [hbm4b:s4+s2], $0x80, v4, vm0, $0xb8;
	[tilespmem:$0x18280] =	vst v63  }
0x1ee: {  	s8 =	simm.s32 $0xB280  }
0x1ef: {  	[tilespmem:s8], [sflag:$0x1] =	stream.indirect_vreg.gather [hbm4b:s3+s2], $0x80, v3, vm0, $0xb8;
	[tilespmem:$0x18280] =	vst v63  }
0x1f0: {  	s8 =	simm.s32 $0xBA80  }
0x1f1: {  	[tilespmem:s8], [sflag:$0x1] =	stream.indirect_vreg.gather [hbm4b:s4+s2], $0x80, v3, vm0, $0xb8;
	[tilespmem:$0x18280] =	vst v63  }
0x1f2: {  	_ =	swait.ge [sflag:s0], $0xC000  }
0x1f3: {  	[sflag:s0] =	ssyncset.done $0x0  }
0x1f4: {  	s8 =	rddreg [dreg:$0x6];
	[sflag:s0] =	ssyncadd.s32 $0xFFFF4000  }
0x1f5: {  	[hbm4b:s8+s2] =	stream.linear.scatter [tilespmem:s1], [sflag:$0x4], $0xC000, $0x38;
	[tilespmem:$0x18280] =	vst v63  }
0x1f6: {  	_ =	swait.ge [sflag:s6], $0xC000  }
0x1f7: {  	[sflag:s6] =	ssyncset.done $0x0  }
0x1f8: {  	[sflag:s6] =	ssyncadd.s32 $0xFFFF4000  }
0x1f9: {  	v3 =	vld [tilespmem:$0x1E0];
	_ =	sdelay $0x4  }
0x1fa: {  	v58 =	vshll.u32 v3, $0x2  }
0x1fb: {  	v3 =	vand.u32 $0x7, v3;
	v4 =	vand.u32 $0xFFFFFFE0, v58  }
0x1fc: {  	v3 =	vor.u32 v3, v4  }
0x1fd: {  	v4 =	vperm.xlane v3, v0;
	_ =	sdelay $0x1  }
0x1fe: {  	v4 =	vadd.s32 v1, v4;
	_ =	sdelay $0x1  }
0x1ff: {  	v3 =	vperm.xlane v3, v2;
	_ =	sdelay $0x1  }
0x200: {  	v3 =	vadd.s32 v1, v3  }
0x201: {  	[tilespmem:s1], [sflag:$0x2] =	stream.indirect_vreg.gather [hbm4b:s3+s2], $0x80, v4, vm0, $0xb8;
	[tilespmem:$0x18280] =	vst v63  }
0x202: {  	s8 =	simm.s32 $0xCA80  }
0x203: {  	[tilespmem:s8], [sflag:$0x2] =	stream.indirect_vreg.gather [hbm4b:s4+s2], $0x80, v4, vm0, $0xb8;
	[tilespmem:$0x18280] =	vst v63  }
0x204: {  	s8 =	simm.s32 $0xD280  }
0x205: {  	[tilespmem:s8], [sflag:$0x2] =	stream.indirect_vreg.gather [hbm4b:s3+s2], $0x80, v3, vm0, $0xb8;
	[tilespmem:$0x18280] =	vst v63  }
0x206: {  	s8 =	simm.s32 $0xDA80  }
0x207: {  	[tilespmem:s8], [sflag:$0x2] =	stream.indirect_vreg.gather [hbm4b:s4+s2], $0x80, v3, vm0, $0xb8;
	[tilespmem:$0x18280] =	vst v63  }
0x208: {  	v3 =	vld [tilespmem:$0x1F0];
	_ =	sdelay $0x4  }
0x209: {  	v59 =	vshll.u32 v3, $0x2  }
0x20a: {  	v3 =	vand.u32 $0x7, v3;
	v4 =	vand.u32 $0xFFFFFFE0, v59  }
0x20b: {  	v3 =	vor.u32 v3, v4  }
0x20c: {  	v4 =	vperm.xlane v3, v0;
	_ =	sdelay $0x1  }
0x20d: {  	v4 =	vadd.s32 v1, v4;
	_ =	sdelay $0x1  }
0x20e: {  	v3 =	vperm.xlane v3, v2;
	_ =	sdelay $0x1  }
0x20f: {  	s8 =	simm.s32 $0xE280;
	v3 =	vadd.s32 v1, v3  }
0x210: {  	[tilespmem:s8], [sflag:$0x2] =	stream.indirect_vreg.gather [hbm4b:s3+s2], $0x80, v4, vm0, $0xb8;
	[tilespmem:$0x18280] =	vst v63  }
0x211: {  	s8 =	simm.s32 $0xEA80  }
0x212: {  	[tilespmem:s8], [sflag:$0x2] =	stream.indirect_vreg.gather [hbm4b:s4+s2], $0x80, v4, vm0, $0xb8;
	[tilespmem:$0x18280] =	vst v63  }
0x213: {  	s8 =	simm.s32 $0xF280  }
0x214: {  	[tilespmem:s8], [sflag:$0x2] =	stream.indirect_vreg.gather [hbm4b:s3+s2], $0x80, v3, vm0, $0xb8;
	[tilespmem:$0x18280] =	vst v63  }
0x215: {  	s8 =	simm.s32 $0xFA80  }
0x216: {  	[tilespmem:s8], [sflag:$0x2] =	stream.indirect_vreg.gather [hbm4b:s4+s2], $0x80, v3, vm0, $0xb8;
	[tilespmem:$0x18280] =	vst v63  }
0x217: {  	v3 =	vld [tilespmem:$0x200];
	_ =	sdelay $0x4  }
0x218: {  	v60 =	vshll.u32 v3, $0x2  }
0x219: {  	v3 =	vand.u32 $0x7, v3;
	v4 =	vand.u32 $0xFFFFFFE0, v60  }
0x21a: {  	v3 =	vor.u32 v3, v4  }
0x21b: {  	v4 =	vperm.xlane v3, v0;
	_ =	sdelay $0x1  }
0x21c: {  	v4 =	vadd.s32 v1, v4;
	_ =	sdelay $0x1  }
0x21d: {  	v3 =	vperm.xlane v3, v2;
	_ =	sdelay $0x1  }
0x21e: {  	s8 =	simm.s32 $0x10280;
	v3 =	vadd.s32 v1, v3  }
0x21f: {  	[tilespmem:s8], [sflag:$0x2] =	stream.indirect_vreg.gather [hbm4b:s3+s2], $0x80, v4, vm0, $0xb8;
	[tilespmem:$0x18280] =	vst v63  }
0x220: {  	s8 =	simm.s32 $0x10A80  }
0x221: {  	[tilespmem:s8], [sflag:$0x2] =	stream.indirect_vreg.gather [hbm4b:s4+s2], $0x80, v4, vm0, $0xb8;
	[tilespmem:$0x18280] =	vst v63  }
0x222: {  	s8 =	simm.s32 $0x11280  }
0x223: {  	[tilespmem:s8], [sflag:$0x2] =	stream.indirect_vreg.gather [hbm4b:s3+s2], $0x80, v3, vm0, $0xb8;
	[tilespmem:$0x18280] =	vst v63  }
0x224: {  	s8 =	simm.s32 $0x11A80  }
0x225: {  	[tilespmem:s8], [sflag:$0x2] =	stream.indirect_vreg.gather [hbm4b:s4+s2], $0x80, v3, vm0, $0xb8;
	[tilespmem:$0x18280] =	vst v63  }
0x226: {  	v3 =	vld [tilespmem:$0x210];
	_ =	sdelay $0x4  }
0x227: {  	v61 =	vshll.u32 v3, $0x2  }
0x228: {  	v3 =	vand.u32 $0x7, v3;
	v4 =	vand.u32 $0xFFFFFFE0, v61  }
0x229: {  	v3 =	vor.u32 v3, v4  }
0x22a: {  	v4 =	vperm.xlane v3, v0;
	_ =	sdelay $0x1  }
0x22b: {  	v4 =	vadd.s32 v1, v4;
	_ =	sdelay $0x1  }
0x22c: {  	v3 =	vperm.xlane v3, v2;
	_ =	sdelay $0x1  }
0x22d: {  	s8 =	simm.s32 $0x12280;
	v3 =	vadd.s32 v1, v3  }
0x22e: {  	[tilespmem:s8], [sflag:$0x2] =	stream.indirect_vreg.gather [hbm4b:s3+s2], $0x80, v4, vm0, $0xb8;
	[tilespmem:$0x18280] =	vst v63  }
0x22f: {  	s8 =	simm.s32 $0x12A80  }
0x230: {  	[tilespmem:s8], [sflag:$0x2] =	stream.indirect_vreg.gather [hbm4b:s4+s2], $0x80, v4, vm0, $0xb8;
	[tilespmem:$0x18280] =	vst v63  }
0x231: {  	s8 =	simm.s32 $0x13280  }
0x232: {  	[tilespmem:s8], [sflag:$0x2] =	stream.indirect_vreg.gather [hbm4b:s3+s2], $0x80, v3, vm0, $0xb8;
	[tilespmem:$0x18280] =	vst v63  }
0x233: {  	s8 =	simm.s32 $0x13A80  }
0x234: {  	[tilespmem:s8], [sflag:$0x2] =	stream.indirect_vreg.gather [hbm4b:s4+s2], $0x80, v3, vm0, $0xb8;
	[tilespmem:$0x18280] =	vst v63  }
0x235: {  	v3 =	vld [tilespmem:$0x220];
	_ =	sdelay $0x4  }
0x236: {  	v62 =	vshll.u32 v3, $0x2  }
0x237: {  	v3 =	vand.u32 $0x7, v3;
	v4 =	vand.u32 $0xFFFFFFE0, v62  }
0x238: {  	v3 =	vor.u32 v3, v4  }
0x239: {  	v4 =	vperm.xlane v3, v0;
	_ =	sdelay $0x1  }
0x23a: {  	v4 =	vadd.s32 v1, v4;
	_ =	sdelay $0x1  }
0x23b: {  	v3 =	vperm.xlane v3, v2;
	_ =	sdelay $0x1  }
0x23c: {  	s8 =	simm.s32 $0x14280;
	v3 =	vadd.s32 v1, v3  }
0x23d: {  	[tilespmem:s8], [sflag:$0x2] =	stream.indirect_vreg.gather [hbm4b:s3+s2], $0x80, v4, vm0, $0xb8;
	[tilespmem:$0x18280] =	vst v63  }
0x23e: {  	s8 =	simm.s32 $0x14A80  }
0x23f: {  	[tilespmem:s8], [sflag:$0x2] =	stream.indirect_vreg.gather [hbm4b:s4+s2], $0x80, v4, vm0, $0xb8;
	[tilespmem:$0x18280] =	vst v63  }
0x240: {  	s8 =	simm.s32 $0x15280  }
0x241: {  	[tilespmem:s8], [sflag:$0x2] =	stream.indirect_vreg.gather [hbm4b:s3+s2], $0x80, v3, vm0, $0xb8;
	[tilespmem:$0x18280] =	vst v63  }
0x242: {  	s8 =	simm.s32 $0x15A80  }
0x243: {  	[tilespmem:s8], [sflag:$0x2] =	stream.indirect_vreg.gather [hbm4b:s4+s2], $0x80, v3, vm0, $0xb8;
	[tilespmem:$0x18280] =	vst v63  }
0x244: {  	v3 =	vld [tilespmem:$0x230];
	_ =	sdelay $0x4  }
0x245: {  	v63 =	vshll.u32 v3, $0x2  }
0x246: {  	v3 =	vand.u32 $0x7, v3;
	v4 =	vand.u32 $0xFFFFFFE0, v63  }
0x247: {  	v3 =	vor.u32 v3, v4  }
0x248: {  	v4 =	vperm.xlane v3, v0;
	_ =	sdelay $0x1  }
0x249: {  	v4 =	vadd.s32 v1, v4;
	_ =	sdelay $0x1  }
0x24a: {  	v3 =	vperm.xlane v3, v2;
	_ =	sdelay $0x1  }
0x24b: {  	s8 =	simm.s32 $0x16280;
	v3 =	vadd.s32 v1, v3  }
0x24c: {  	[tilespmem:s8], [sflag:$0x2] =	stream.indirect_vreg.gather [hbm4b:s3+s2], $0x80, v4, vm0, $0xb8;
	[tilespmem:$0x18280] =	vst v63  }
0x24d: {  	s8 =	simm.s32 $0x16A80  }
0x24e: {  	[tilespmem:s8], [sflag:$0x2] =	stream.indirect_vreg.gather [hbm4b:s4+s2], $0x80, v4, vm0, $0xb8;
	[tilespmem:$0x18280] =	vst v63  }
0x24f: {  	s8 =	simm.s32 $0x17280  }
0x250: {  	[tilespmem:s8], [sflag:$0x2] =	stream.indirect_vreg.gather [hbm4b:s3+s2], $0x80, v3, vm0, $0xb8;
	[tilespmem:$0x18280] =	vst v63  }
0x251: {  	s8 =	simm.s32 $0x17A80  }
0x252: {  	[tilespmem:s8], [sflag:$0x2] =	stream.indirect_vreg.gather [hbm4b:s4+s2], $0x80, v3, vm0, $0xb8;
	[tilespmem:$0x18280] =	vst v63  }
0x253: {  	_ =	swait.ge [sflag:s30], $0xC000  }
0x254: {  	[sflag:s30] =	ssyncset.done $0x0  }
0x255: {  	s8 =	rddreg [dreg:$0x7];
	[sflag:s30] =	ssyncadd.s32 $0xFFFF4000  }
0x256: {  	[hbm4b:s8+s2] =	stream.linear.scatter [tilespmem:s7], [sflag:$0x3], $0xC000, $0x38;
	[tilespmem:$0x18280] =	vst v63  }
0x257: {  	_ =	swait.ge [sflag:s0], $0xC000  }
0x258: {  	[sflag:s0] =	ssyncset.done $0x0  }
0x259: {  	s8 =	rddreg [dreg:$0x8];
	[sflag:s0] =	ssyncadd.s32 $0xFFFF4000  }
0x25a: {  	[hbm4b:s8+s2] =	stream.linear.scatter [tilespmem:s1], [sflag:$0x4], $0xC000, $0x38;
	[tilespmem:$0x18280] =	vst v63  }
0x25b: {  	p0 =	sne.s32 s5, $0x1;
	_ =	swait.ge [sflag:s31], $0xC000  }
.Ltmp0:
0x25c: {  	[sflag:s31] =	ssyncset.done $0x0;
	(pc) =	sbr.rel @p0 .LBB2_1-.Ltmp0, $4  }
0x25d: {  	[sflag:s31] =	ssyncadd.s32 $0xFFFF4000  }
0x25e: {  	_ =	swait.ge [sflag:s6], $0xC000  }
0x25f: {  	[sflag:s6] =	ssyncset.done $0x0  }
0x260: {  	s5 =	sadd.s32 $0xFFFFFFFF, s5;
	[sflag:s6] =	ssyncadd.s32 $0xFFFF4000  }
0x261: {  	_ =	sfence.sel $0x180000  }
0x262: {  	[bflag:$0x0] =	sbarrier.arrive $0xFFFF  }
0x263: {  	_ =	strace $0x90000047  }
0x264: {  	s0 =	stileid.u32;
	[bflag:$0x2] =	sbarrier.arrive $0xFFFF  }
0x265: {  	p0 =	sne.s32 s0, $0x0;
	s0 =	rddreg [dreg:$0x1]  }
0x266: {  	s0 =	sadd.s32 @!p0 $0x100000, s0  }
0x267: {  	[sflag:s0] =	ssyncadd.tile.s32 @!p0 $0x1;
	_ =	shalt  }
.Lfunc_end2:
_tile_overlayer_lowered:
.L_overlay_start_2:
0x268: {  	(tag) =	ssettag $0x2  }
0x269: {  	s0 =	rddreg [dreg:$0x0];
	s2 =	stileid.u32  }
0x26a: {  	s1 =	rddreg [dreg:$0x1];
	p0 =	sne.s32 s2, $0x0  }
0x26b: {  	s3 =	rddreg [dreg:$0x2];
	[bflag:$0x3] =	sbarrier.arrive $0xFFFF;
	s2 =	simm.s32 @!p0 $0x1C05  }
0x26c: {  	[timem:s3], [sflag:s2] =	dma.local @!p0 [hbm:s0], s1  }
0x26d: {  	s0 =	simm.s32 @!p0 $0x5  }
0x26e: {  	_ =	swait.ge @!p0 [sflag:s0], s1  }
0x26f: {  	s1 =	ssub.s32 @!p0 $0x0, s1;
	[sflag:s0] =	ssyncset.done @!p0 $0x0  }
0x270: {  	[sflag:s0] =	ssyncadd.s32 @!p0 s1  }
0x271: {  	[bflag:$0x3] =	sbarrier.arrive $0xFFFF  }
0x272: {  	_ =	shalt  }

</sc_bundles>
